<compile_context>
chip_gen: v7x
topology: tpu7x:2x2x1
jax: 0.10.2.dev20260603
libtpu: 0.0.44.dev20260713+nightly
codegen_flags: <defaults>
</compile_context>

<pallas_src>
import functools

import jax
import jax.numpy as jnp
from jax import lax
from jax.experimental import pallas as pl
from jax.experimental.pallas import tpu as pltpu
from jax.experimental.pallas import tpu_sc as plsc

DIM = 64
NC = 2
NS = 16
NW = NC * NS

CHUNK = 512
NBUF = 3


@functools.lru_cache(maxsize=None)
def _make_kernel(B: int):
    assert B % (NW * CHUNK) == 0
    b_per_w = B // NW
    n_chunks = b_per_w // CHUNK
    mesh = plsc.VectorSubcoreMesh(core_axis_name="c", subcore_axis_name="s")

    steady_lo = 1
    steady_n = ((n_chunks - 2 - steady_lo) // NBUF) * NBUF
    steady_hi = steady_lo + steady_n

    @functools.partial(
        pl.kernel,
        mesh=mesh,
        compiler_params=pltpu.CompilerParams(use_tc_tiling_on_sc=False),
        out_type=jax.ShapeDtypeStruct((B, DIM), jnp.float32),
        scratch_types=[
            pltpu.VMEM((n_chunks, CHUNK), jnp.int32),
            pltpu.VMEM((NBUF, CHUNK, DIM), jnp.float32),
            pltpu.SemaphoreType.DMA,
            pltpu.SemaphoreType.DMA,
        ],
    )
    def emb(idx_hbm, table_hbm, out_hbm, idx_v, rows_v, gsem, wsem):
        wid = lax.axis_index("s") * NC + lax.axis_index("c")
        base = wid * b_per_w

        pltpu.sync_copy(idx_hbm.at[pl.ds(wid * n_chunks, n_chunks)], idx_v)

        def fire_gather(j, buf):
            pltpu.async_copy(table_hbm.at[idx_v.at[j]], rows_v.at[buf], gsem)

        def drain_gather(j, buf):
            pltpu.make_async_copy(
                table_hbm.at[idx_v.at[j]], rows_v.at[buf], gsem).wait()

        def fire_write(j, buf):
            pltpu.async_copy(
                rows_v.at[buf], out_hbm.at[pl.ds(base + j * CHUNK, CHUNK)], wsem)

        def drain_write(j, buf):
            pltpu.make_async_copy(
                rows_v.at[buf], out_hbm.at[pl.ds(base + j * CHUNK, CHUNK)],
                wsem).wait()

        fire_gather(0, 0)
        fire_gather(1, 1)
        drain_gather(0, 0)
        fire_gather(2, 2)
        fire_write(0, 0)

        def body(p, carry):
            for k in range(NBUF):
                j = steady_lo + p * NBUF + k
                b = (steady_lo + k) % NBUF
                drain_gather(j, b)
                drain_write(j - 1, (b + NBUF - 1) % NBUF)
                fire_gather(j + 2, (b + 2) % NBUF)
                fire_write(j, b)
            return carry

        lax.fori_loop(0, steady_n // NBUF, body, 0)

        for j in range(steady_hi, n_chunks):
            b = j % NBUF
            drain_gather(j, b)
            drain_write(j - 1, (b + NBUF - 1) % NBUF)
            if j + 2 < n_chunks:
                fire_gather(j + 2, (j + 2) % NBUF)
            fire_write(j, b)
        drain_write(n_chunks - 1, (n_chunks - 1) % NBUF)

    return emb


def kernel(X, table):
    rows, cols = X.shape
    idx = X.reshape(-1, CHUNK).astype(jnp.int32)
    out = _make_kernel(idx.size)(idx, table)
    return out.reshape(rows, cols, DIM)

# --- scband reference (transcript-rebuilt; emitter-appended) ---
"""Pipeline reference for scband-token-embedding-5574867550571 (READ-ONLY COPY).

The authoritative reference and input builder live on the scoring server;
editing this copy changes nothing except your own understanding.
"""

import jax, jax.numpy as jnp
import numpy as np

VOCAB = 1000000
DIM = 64

def setup_inputs(seed: int = 0) -> dict:
    key = jax.random.key(seed)
    k1, k2 = jax.random.split(key)
    X = jax.random.randint(k1, (4096, 200), 0, VOCAB, dtype=jnp.int64 if jax.config.jax_enable_x64 else jnp.int32)
    table = jax.random.normal(k2, (VOCAB, DIM), dtype=jnp.float32)
    return {"X": X, "table": table}

def reference(X, table):
    # nn.Embedding forward: gather rows of the embedding table
    emb = jnp.take(table, X, axis=0)
    return emb

if __name__ == "__main__":
    import jax
    _d = setup_inputs()
    print(jax.jit(kernel)(*tuple(_d.values())))

</pallas_src>

<mosaic_0001>
#map = affine_map<(d0, d1) -> (0, 0)>
module attributes {stable_mosaic.version = 14 : i64} {
  func.func @emb(%arg0: i32, %arg1: i32, %arg2: memref<1600x512xi32, #tpu.memory_space<hbm>>, %arg3: memref<1000000x64xf32, #tpu.memory_space<hbm>>, %arg4: memref<819200x64xf32, #tpu.memory_space<hbm>>, %arg5: memref<50x512xi32, #tpu.memory_space<vmem>>, %arg6: memref<3x512x64xf32, #tpu.memory_space<vmem>>, %arg7: memref<!tpu.dma_semaphore, #tpu.memory_space<semaphore_mem>>, %arg8: memref<!tpu.dma_semaphore, #tpu.memory_space<semaphore_mem>>) attributes {dimension_semantics = [#tpu.dimension_semantics<core_parallel>, #tpu.dimension_semantics<subcore_parallel>], iteration_bounds = array<i64: 2, 16>, scalar_prefetch = 0 : i64, scratch_operands = 4 : i64, tpu.core_type = #tpu.core_type<sc_vector_subcore>, window_params = [{transform_indices = #map}, {transform_indices = #map}, {transform_indices = #map}]} {
    %mul3A = arith.constant 2 : i32
    %mul3A_0 = arith.muli %arg1, %mul3A : i32
    %add3A = arith.addi %mul3A_0, %arg0 : i32
    %mul3A_1 = arith.constant 25600 : i32
    %mul3A_2 = arith.muli %add3A, %mul3A_1 : i32
    %mul3A_3 = arith.constant 50 : i32
    %mul3A_4 = arith.muli %add3A, %mul3A_3 : i32
    "tpu.region"() ({
      %run_scoped3A = tpu.sem_alloc : memref<!tpu.dma_semaphore, #tpu.memory_space<semaphore_mem>>
      %dma_start3A_278 = arith.constant 0 : i32
      %dma_start3A_279 = tpu.memref_slice %arg2[%mul3A_4, %dma_start3A_278] : memref<1600x512xi32, #tpu.memory_space<hbm>> -> memref<50x512xi32, #tpu.memory_space<hbm>>
      %dma_start3A_280 = arith.constant 0 : i32
      %dma_start3A_281 = tpu.memref_slice %arg2[%mul3A_4, %dma_start3A_280] : memref<1600x512xi32, #tpu.memory_space<hbm>> -> memref<50x512xi32, #tpu.memory_space<hbm>>
      tpu.enqueue_dma source(%dma_start3A_281 : memref<50x512xi32, #tpu.memory_space<hbm>>) target(%arg5 : memref<50x512xi32, #tpu.memory_space<vmem>>) target_semaphore(%run_scoped3A : memref<!tpu.dma_semaphore, #tpu.memory_space<semaphore_mem>>)
      %dma_wait3A_282 = arith.constant 0 : i32
      %dma_wait3A_283 = tpu.memref_slice %arg2[%mul3A_4, %dma_wait3A_282] : memref<1600x512xi32, #tpu.memory_space<hbm>> -> memref<50x512xi32, #tpu.memory_space<hbm>>
      %dma_wait3A_284 = arith.constant 0 : i32
      %dma_wait3A_285 = tpu.memref_slice %arg2[%mul3A_4, %dma_wait3A_284] : memref<1600x512xi32, #tpu.memory_space<hbm>> -> memref<50x512xi32, #tpu.memory_space<hbm>>
      tpu.wait_dma2 semaphore(%run_scoped3A : memref<!tpu.dma_semaphore, #tpu.memory_space<semaphore_mem>>) src(%dma_wait3A_285 : memref<50x512xi32, #tpu.memory_space<hbm>>) dst(%arg5 : memref<50x512xi32, #tpu.memory_space<vmem>>)
      tpu.yield
    }) : () -> ()
    %dma_start3A = arith.constant 0 : i32
    %dma_start3A_5 = arith.constant 0 : i32
    %dma_start3A_6 = arith.constant 0 : i32
    %dma_start3A_7 = arith.constant 0 : i32
    %dma_start3A_8 = tpu.memref_slice %arg6[%dma_start3A_5, %dma_start3A_6, %dma_start3A_7] : memref<3x512x64xf32, #tpu.memory_space<vmem>> -> memref<1x512x64xf32, #tpu.memory_space<vmem>>
    %dma_start3A_9 = tpu.memref_squeeze %dma_start3A_8 : memref<1x512x64xf32, #tpu.memory_space<vmem>> -> memref<512x64xf32, #tpu.memory_space<vmem>>
    %dma_start3A_10 = arith.constant 0 : i32
    %dma_start3A_11 = tpu.memref_slice %arg5[%dma_start3A, %dma_start3A_10] : memref<50x512xi32, #tpu.memory_space<vmem>> -> memref<1x512xi32, #tpu.memory_space<vmem>>
    %dma_start3A_12 = tpu.memref_squeeze %dma_start3A_11 : memref<1x512xi32, #tpu.memory_space<vmem>> -> memref<512xi32, #tpu.memory_space<vmem>>
    %dma_start3A_13 = arith.constant 0 : i32
    %dma_start3A_14 = arith.constant 0 : i32
    %dma_start3A_15 = tpu.memref_slice %arg3[%dma_start3A_13, %dma_start3A_14] : memref<1000000x64xf32, #tpu.memory_space<hbm>> -> memref<1000000x64xf32, #tpu.memory_space<hbm>>
    tpu.enqueue_indirect_dma source(%dma_start3A_15 : memref<1000000x64xf32, #tpu.memory_space<hbm>>) target(%dma_start3A_9 : memref<512x64xf32, #tpu.memory_space<vmem>>) offsets(%dma_start3A_12 : memref<512xi32, #tpu.memory_space<vmem>>) semaphore(%arg7 : memref<!tpu.dma_semaphore, #tpu.memory_space<semaphore_mem>>)
    %dma_start3A_16 = arith.constant 1 : i32
    %dma_start3A_17 = arith.constant 1 : i32
    %dma_start3A_18 = arith.constant 0 : i32
    %dma_start3A_19 = arith.constant 0 : i32
    %dma_start3A_20 = tpu.memref_slice %arg6[%dma_start3A_17, %dma_start3A_18, %dma_start3A_19] : memref<3x512x64xf32, #tpu.memory_space<vmem>> -> memref<1x512x64xf32, #tpu.memory_space<vmem>>
    %dma_start3A_21 = tpu.memref_squeeze %dma_start3A_20 : memref<1x512x64xf32, #tpu.memory_space<vmem>> -> memref<512x64xf32, #tpu.memory_space<vmem>>
    %dma_start3A_22 = arith.constant 0 : i32
    %dma_start3A_23 = tpu.memref_slice %arg5[%dma_start3A_16, %dma_start3A_22] : memref<50x512xi32, #tpu.memory_space<vmem>> -> memref<1x512xi32, #tpu.memory_space<vmem>>
    %dma_start3A_24 = tpu.memref_squeeze %dma_start3A_23 : memref<1x512xi32, #tpu.memory_space<vmem>> -> memref<512xi32, #tpu.memory_space<vmem>>
    %dma_start3A_25 = arith.constant 0 : i32
    %dma_start3A_26 = arith.constant 0 : i32
    %dma_start3A_27 = tpu.memref_slice %arg3[%dma_start3A_25, %dma_start3A_26] : memref<1000000x64xf32, #tpu.memory_space<hbm>> -> memref<1000000x64xf32, #tpu.memory_space<hbm>>
    tpu.enqueue_indirect_dma source(%dma_start3A_27 : memref<1000000x64xf32, #tpu.memory_space<hbm>>) target(%dma_start3A_21 : memref<512x64xf32, #tpu.memory_space<vmem>>) offsets(%dma_start3A_24 : memref<512xi32, #tpu.memory_space<vmem>>) semaphore(%arg7 : memref<!tpu.dma_semaphore, #tpu.memory_space<semaphore_mem>>)
    %dma_wait3A = arith.constant 0 : i32
    %dma_wait3A_28 = arith.constant 0 : i32
    %dma_wait3A_29 = arith.constant 0 : i32
    %dma_wait3A_30 = arith.constant 0 : i32
    %dma_wait3A_31 = tpu.memref_slice %arg6[%dma_wait3A_28, %dma_wait3A_29, %dma_wait3A_30] : memref<3x512x64xf32, #tpu.memory_space<vmem>> -> memref<1x512x64xf32, #tpu.memory_space<vmem>>
    %dma_wait3A_32 = tpu.memref_squeeze %dma_wait3A_31 : memref<1x512x64xf32, #tpu.memory_space<vmem>> -> memref<512x64xf32, #tpu.memory_space<vmem>>
    %dma_wait3A_33 = arith.constant 0 : i32
    %dma_wait3A_34 = tpu.memref_slice %arg5[%dma_wait3A, %dma_wait3A_33] : memref<50x512xi32, #tpu.memory_space<vmem>> -> memref<1x512xi32, #tpu.memory_space<vmem>>
    %dma_wait3A_35 = tpu.memref_squeeze %dma_wait3A_34 : memref<1x512xi32, #tpu.memory_space<vmem>> -> memref<512xi32, #tpu.memory_space<vmem>>
    %dma_wait3A_36 = arith.constant 0 : i32
    %dma_wait3A_37 = arith.constant 0 : i32
    %dma_wait3A_38 = tpu.memref_slice %arg3[%dma_wait3A_36, %dma_wait3A_37] : memref<1000000x64xf32, #tpu.memory_space<hbm>> -> memref<1000000x64xf32, #tpu.memory_space<hbm>>
    tpu.wait_indirect_dma semaphore(%arg7 : memref<!tpu.dma_semaphore, #tpu.memory_space<semaphore_mem>>) src(%dma_wait3A_38 : memref<1000000x64xf32, #tpu.memory_space<hbm>>) dst(%dma_wait3A_32 : memref<512x64xf32, #tpu.memory_space<vmem>>)
    %dma_start3A_39 = arith.constant 2 : i32
    %dma_start3A_40 = arith.constant 2 : i32
    %dma_start3A_41 = arith.constant 0 : i32
    %dma_start3A_42 = arith.constant 0 : i32
    %dma_start3A_43 = tpu.memref_slice %arg6[%dma_start3A_40, %dma_start3A_41, %dma_start3A_42] : memref<3x512x64xf32, #tpu.memory_space<vmem>> -> memref<1x512x64xf32, #tpu.memory_space<vmem>>
    %dma_start3A_44 = tpu.memref_squeeze %dma_start3A_43 : memref<1x512x64xf32, #tpu.memory_space<vmem>> -> memref<512x64xf32, #tpu.memory_space<vmem>>
    %dma_start3A_45 = arith.constant 0 : i32
    %dma_start3A_46 = tpu.memref_slice %arg5[%dma_start3A_39, %dma_start3A_45] : memref<50x512xi32, #tpu.memory_space<vmem>> -> memref<1x512xi32, #tpu.memory_space<vmem>>
    %dma_start3A_47 = tpu.memref_squeeze %dma_start3A_46 : memref<1x512xi32, #tpu.memory_space<vmem>> -> memref<512xi32, #tpu.memory_space<vmem>>
    %dma_start3A_48 = arith.constant 0 : i32
    %dma_start3A_49 = arith.constant 0 : i32
    %dma_start3A_50 = tpu.memref_slice %arg3[%dma_start3A_48, %dma_start3A_49] : memref<1000000x64xf32, #tpu.memory_space<hbm>> -> memref<1000000x64xf32, #tpu.memory_space<hbm>>
    tpu.enqueue_indirect_dma source(%dma_start3A_50 : memref<1000000x64xf32, #tpu.memory_space<hbm>>) target(%dma_start3A_44 : memref<512x64xf32, #tpu.memory_space<vmem>>) offsets(%dma_start3A_47 : memref<512xi32, #tpu.memory_space<vmem>>) semaphore(%arg7 : memref<!tpu.dma_semaphore, #tpu.memory_space<semaphore_mem>>)
    %add3A_51 = arith.constant 0 : i32
    %add3A_52 = arith.addi %mul3A_2, %add3A_51 : i32
    %dma_start3A_53 = arith.constant 0 : i32
    %dma_start3A_54 = arith.constant 0 : i32
    %dma_start3A_55 = arith.constant 0 : i32
    %dma_start3A_56 = tpu.memref_slice %arg6[%dma_start3A_53, %dma_start3A_54, %dma_start3A_55] : memref<3x512x64xf32, #tpu.memory_space<vmem>> -> memref<1x512x64xf32, #tpu.memory_space<vmem>>
    %dma_start3A_57 = tpu.memref_squeeze %dma_start3A_56 : memref<1x512x64xf32, #tpu.memory_space<vmem>> -> memref<512x64xf32, #tpu.memory_space<vmem>>
    %dma_start3A_58 = arith.constant 0 : i32
    %dma_start3A_59 = tpu.memref_slice %arg4[%add3A_52, %dma_start3A_58] : memref<819200x64xf32, #tpu.memory_space<hbm>> -> memref<512x64xf32, #tpu.memory_space<hbm>>
    %dma_start3A_60 = arith.constant 0 : i32
    %dma_start3A_61 = tpu.memref_slice %arg4[%add3A_52, %dma_start3A_60] : memref<819200x64xf32, #tpu.memory_space<hbm>> -> memref<512x64xf32, #tpu.memory_space<hbm>>
    %dma_start3A_62 = arith.constant 0 : i32
    %dma_start3A_63 = arith.constant 0 : i32
    %dma_start3A_64 = tpu.memref_slice %arg6[%dma_start3A_53, %dma_start3A_62, %dma_start3A_63] : memref<3x512x64xf32, #tpu.memory_space<vmem>> -> memref<1x512x64xf32, #tpu.memory_space<vmem>>
    %dma_start3A_65 = tpu.memref_squeeze %dma_start3A_64 : memref<1x512x64xf32, #tpu.memory_space<vmem>> -> memref<512x64xf32, #tpu.memory_space<vmem>>
    tpu.enqueue_dma source(%dma_start3A_65 : memref<512x64xf32, #tpu.memory_space<vmem>>) target(%dma_start3A_61 : memref<512x64xf32, #tpu.memory_space<hbm>>) target_semaphore(%arg8 : memref<!tpu.dma_semaphore, #tpu.memory_space<semaphore_mem>>)
    %scan3A = arith.constant 0 : i32
    %scan3A_66 = arith.constant 0 : i32
    %scan3A_67 = arith.constant 15 : i32
    %scan3A_68 = arith.addi %scan3A_66, %scan3A_67 : i32
    %scan3A_69 = arith.constant 1 : i32
    scf.for %scan3A_278 = %scan3A_66 to %scan3A_68 step %scan3A_69  : i32 {
      %mul3A_279 = arith.constant 3 : i32
      %mul3A_280 = arith.muli %scan3A_278, %mul3A_279 : i32
      %add3A_281 = arith.constant 1 : i32
      %add3A_282 = arith.addi %add3A_281, %mul3A_280 : i32
      %add3A_283 = arith.constant 0 : i32
      %add3A_284 = arith.addi %add3A_282, %add3A_283 : i32
      %dma_wait3A_285 = arith.constant 1 : i32
      %dma_wait3A_286 = arith.constant 0 : i32
      %dma_wait3A_287 = arith.constant 0 : i32
      %dma_wait3A_288 = tpu.memref_slice %arg6[%dma_wait3A_285, %dma_wait3A_286, %dma_wait3A_287] : memref<3x512x64xf32, #tpu.memory_space<vmem>> -> memref<1x512x64xf32, #tpu.memory_space<vmem>>
      %dma_wait3A_289 = tpu.memref_squeeze %dma_wait3A_288 : memref<1x512x64xf32, #tpu.memory_space<vmem>> -> memref<512x64xf32, #tpu.memory_space<vmem>>
      %dma_wait3A_290 = arith.constant 0 : i32
      %dma_wait3A_291 = tpu.memref_slice %arg5[%add3A_284, %dma_wait3A_290] : memref<50x512xi32, #tpu.memory_space<vmem>> -> memref<1x512xi32, #tpu.memory_space<vmem>>
      %dma_wait3A_292 = tpu.memref_squeeze %dma_wait3A_291 : memref<1x512xi32, #tpu.memory_space<vmem>> -> memref<512xi32, #tpu.memory_space<vmem>>
      %dma_wait3A_293 = arith.constant 0 : i32
      %dma_wait3A_294 = arith.constant 0 : i32
      %dma_wait3A_295 = tpu.memref_slice %arg3[%dma_wait3A_293, %dma_wait3A_294] : memref<1000000x64xf32, #tpu.memory_space<hbm>> -> memref<1000000x64xf32, #tpu.memory_space<hbm>>
      tpu.wait_indirect_dma semaphore(%arg7 : memref<!tpu.dma_semaphore, #tpu.memory_space<semaphore_mem>>) src(%dma_wait3A_295 : memref<1000000x64xf32, #tpu.memory_space<hbm>>) dst(%dma_wait3A_289 : memref<512x64xf32, #tpu.memory_space<vmem>>)
      %sub3A = arith.constant 1 : i32
      %sub3A_296 = arith.subi %add3A_284, %sub3A : i32
      %mul3A_297 = arith.constant 512 : i32
      %mul3A_298 = arith.muli %sub3A_296, %mul3A_297 : i32
      %add3A_299 = arith.addi %mul3A_2, %mul3A_298 : i32
      %dma_wait3A_300 = arith.constant 0 : i32
      %dma_wait3A_301 = arith.constant 0 : i32
      %dma_wait3A_302 = arith.constant 0 : i32
      %dma_wait3A_303 = tpu.memref_slice %arg6[%dma_wait3A_300, %dma_wait3A_301, %dma_wait3A_302] : memref<3x512x64xf32, #tpu.memory_space<vmem>> -> memref<1x512x64xf32, #tpu.memory_space<vmem>>
      %dma_wait3A_304 = tpu.memref_squeeze %dma_wait3A_303 : memref<1x512x64xf32, #tpu.memory_space<vmem>> -> memref<512x64xf32, #tpu.memory_space<vmem>>
      %dma_wait3A_305 = arith.constant 0 : i32
      %dma_wait3A_306 = tpu.memref_slice %arg4[%add3A_299, %dma_wait3A_305] : memref<819200x64xf32, #tpu.memory_space<hbm>> -> memref<512x64xf32, #tpu.memory_space<hbm>>
      %dma_wait3A_307 = arith.constant 0 : i32
      %dma_wait3A_308 = tpu.memref_slice %arg4[%add3A_299, %dma_wait3A_307] : memref<819200x64xf32, #tpu.memory_space<hbm>> -> memref<512x64xf32, #tpu.memory_space<hbm>>
      %dma_wait3A_309 = arith.constant 0 : i32
      %dma_wait3A_310 = arith.constant 0 : i32
      %dma_wait3A_311 = tpu.memref_slice %arg6[%dma_wait3A_300, %dma_wait3A_309, %dma_wait3A_310] : memref<3x512x64xf32, #tpu.memory_space<vmem>> -> memref<1x512x64xf32, #tpu.memory_space<vmem>>
      %dma_wait3A_312 = tpu.memref_squeeze %dma_wait3A_311 : memref<1x512x64xf32, #tpu.memory_space<vmem>> -> memref<512x64xf32, #tpu.memory_space<vmem>>
      tpu.wait_dma2 semaphore(%arg8 : memref<!tpu.dma_semaphore, #tpu.memory_space<semaphore_mem>>) src(%dma_wait3A_312 : memref<512x64xf32, #tpu.memory_space<vmem>>) dst(%dma_wait3A_308 : memref<512x64xf32, #tpu.memory_space<hbm>>)
      %add3A_313 = arith.constant 2 : i32
      %add3A_314 = arith.addi %add3A_284, %add3A_313 : i32
      %dma_start3A_315 = arith.constant 0 : i32
      %dma_start3A_316 = arith.constant 0 : i32
      %dma_start3A_317 = arith.constant 0 : i32
      %dma_start3A_318 = tpu.memref_slice %arg6[%dma_start3A_315, %dma_start3A_316, %dma_start3A_317] : memref<3x512x64xf32, #tpu.memory_space<vmem>> -> memref<1x512x64xf32, #tpu.memory_space<vmem>>
      %dma_start3A_319 = tpu.memref_squeeze %dma_start3A_318 : memref<1x512x64xf32, #tpu.memory_space<vmem>> -> memref<512x64xf32, #tpu.memory_space<vmem>>
      %dma_start3A_320 = arith.constant 0 : i32
      %dma_start3A_321 = tpu.memref_slice %arg5[%add3A_314, %dma_start3A_320] : memref<50x512xi32, #tpu.memory_space<vmem>> -> memref<1x512xi32, #tpu.memory_space<vmem>>
      %dma_start3A_322 = tpu.memref_squeeze %dma_start3A_321 : memref<1x512xi32, #tpu.memory_space<vmem>> -> memref<512xi32, #tpu.memory_space<vmem>>
      %dma_start3A_323 = arith.constant 0 : i32
      %dma_start3A_324 = arith.constant 0 : i32
      %dma_start3A_325 = tpu.memref_slice %arg3[%dma_start3A_323, %dma_start3A_324] : memref<1000000x64xf32, #tpu.memory_space<hbm>> -> memref<1000000x64xf32, #tpu.memory_space<hbm>>
      tpu.enqueue_indirect_dma source(%dma_start3A_325 : memref<1000000x64xf32, #tpu.memory_space<hbm>>) target(%dma_start3A_319 : memref<512x64xf32, #tpu.memory_space<vmem>>) offsets(%dma_start3A_322 : memref<512xi32, #tpu.memory_space<vmem>>) semaphore(%arg7 : memref<!tpu.dma_semaphore, #tpu.memory_space<semaphore_mem>>)
      %mul3A_326 = arith.constant 512 : i32
      %mul3A_327 = arith.muli %add3A_284, %mul3A_326 : i32
      %add3A_328 = arith.addi %mul3A_2, %mul3A_327 : i32
      %dma_start3A_329 = arith.constant 1 : i32
      %dma_start3A_330 = arith.constant 0 : i32
      %dma_start3A_331 = arith.constant 0 : i32
      %dma_start3A_332 = tpu.memref_slice %arg6[%dma_start3A_329, %dma_start3A_330, %dma_start3A_331] : memref<3x512x64xf32, #tpu.memory_space<vmem>> -> memref<1x512x64xf32, #tpu.memory_space<vmem>>
      %dma_start3A_333 = tpu.memref_squeeze %dma_start3A_332 : memref<1x512x64xf32, #tpu.memory_space<vmem>> -> memref<512x64xf32, #tpu.memory_space<vmem>>
      %dma_start3A_334 = arith.constant 0 : i32
      %dma_start3A_335 = tpu.memref_slice %arg4[%add3A_328, %dma_start3A_334] : memref<819200x64xf32, #tpu.memory_space<hbm>> -> memref<512x64xf32, #tpu.memory_space<hbm>>
      %dma_start3A_336 = arith.constant 0 : i32
      %dma_start3A_337 = tpu.memref_slice %arg4[%add3A_328, %dma_start3A_336] : memref<819200x64xf32, #tpu.memory_space<hbm>> -> memref<512x64xf32, #tpu.memory_space<hbm>>
      %dma_start3A_338 = arith.constant 0 : i32
      %dma_start3A_339 = arith.constant 0 : i32
      %dma_start3A_340 = tpu.memref_slice %arg6[%dma_start3A_329, %dma_start3A_338, %dma_start3A_339] : memref<3x512x64xf32, #tpu.memory_space<vmem>> -> memref<1x512x64xf32, #tpu.memory_space<vmem>>
      %dma_start3A_341 = tpu.memref_squeeze %dma_start3A_340 : memref<1x512x64xf32, #tpu.memory_space<vmem>> -> memref<512x64xf32, #tpu.memory_space<vmem>>
      tpu.enqueue_dma source(%dma_start3A_341 : memref<512x64xf32, #tpu.memory_space<vmem>>) target(%dma_start3A_337 : memref<512x64xf32, #tpu.memory_space<hbm>>) target_semaphore(%arg8 : memref<!tpu.dma_semaphore, #tpu.memory_space<semaphore_mem>>)
      %mul3A_342 = arith.constant 3 : i32
      %mul3A_343 = arith.muli %scan3A_278, %mul3A_342 : i32
      %add3A_344 = arith.constant 1 : i32
      %add3A_345 = arith.addi %add3A_344, %mul3A_343 : i32
      %add3A_346 = arith.constant 1 : i32
      %add3A_347 = arith.addi %add3A_345, %add3A_346 : i32
      %dma_wait3A_348 = arith.constant 2 : i32
      %dma_wait3A_349 = arith.constant 0 : i32
      %dma_wait3A_350 = arith.constant 0 : i32
      %dma_wait3A_351 = tpu.memref_slice %arg6[%dma_wait3A_348, %dma_wait3A_349, %dma_wait3A_350] : memref<3x512x64xf32, #tpu.memory_space<vmem>> -> memref<1x512x64xf32, #tpu.memory_space<vmem>>
      %dma_wait3A_352 = tpu.memref_squeeze %dma_wait3A_351 : memref<1x512x64xf32, #tpu.memory_space<vmem>> -> memref<512x64xf32, #tpu.memory_space<vmem>>
      %dma_wait3A_353 = arith.constant 0 : i32
      %dma_wait3A_354 = tpu.memref_slice %arg5[%add3A_347, %dma_wait3A_353] : memref<50x512xi32, #tpu.memory_space<vmem>> -> memref<1x512xi32, #tpu.memory_space<vmem>>
      %dma_wait3A_355 = tpu.memref_squeeze %dma_wait3A_354 : memref<1x512xi32, #tpu.memory_space<vmem>> -> memref<512xi32, #tpu.memory_space<vmem>>
      %dma_wait3A_356 = arith.constant 0 : i32
      %dma_wait3A_357 = arith.constant 0 : i32
      %dma_wait3A_358 = tpu.memref_slice %arg3[%dma_wait3A_356, %dma_wait3A_357] : memref<1000000x64xf32, #tpu.memory_space<hbm>> -> memref<1000000x64xf32, #tpu.memory_space<hbm>>
      tpu.wait_indirect_dma semaphore(%arg7 : memref<!tpu.dma_semaphore, #tpu.memory_space<semaphore_mem>>) src(%dma_wait3A_358 : memref<1000000x64xf32, #tpu.memory_space<hbm>>) dst(%dma_wait3A_352 : memref<512x64xf32, #tpu.memory_space<vmem>>)
      %sub3A_359 = arith.constant 1 : i32
      %sub3A_360 = arith.subi %add3A_347, %sub3A_359 : i32
      %mul3A_361 = arith.constant 512 : i32
      %mul3A_362 = arith.muli %sub3A_360, %mul3A_361 : i32
      %add3A_363 = arith.addi %mul3A_2, %mul3A_362 : i32
      %dma_wait3A_364 = arith.constant 1 : i32
      %dma_wait3A_365 = arith.constant 0 : i32
      %dma_wait3A_366 = arith.constant 0 : i32
      %dma_wait3A_367 = tpu.memref_slice %arg6[%dma_wait3A_364, %dma_wait3A_365, %dma_wait3A_366] : memref<3x512x64xf32, #tpu.memory_space<vmem>> -> memref<1x512x64xf32, #tpu.memory_space<vmem>>
      %dma_wait3A_368 = tpu.memref_squeeze %dma_wait3A_367 : memref<1x512x64xf32, #tpu.memory_space<vmem>> -> memref<512x64xf32, #tpu.memory_space<vmem>>
      %dma_wait3A_369 = arith.constant 0 : i32
      %dma_wait3A_370 = tpu.memref_slice %arg4[%add3A_363, %dma_wait3A_369] : memref<819200x64xf32, #tpu.memory_space<hbm>> -> memref<512x64xf32, #tpu.memory_space<hbm>>
      %dma_wait3A_371 = arith.constant 0 : i32
      %dma_wait3A_372 = tpu.memref_slice %arg4[%add3A_363, %dma_wait3A_371] : memref<819200x64xf32, #tpu.memory_space<hbm>> -> memref<512x64xf32, #tpu.memory_space<hbm>>
      %dma_wait3A_373 = arith.constant 0 : i32
      %dma_wait3A_374 = arith.constant 0 : i32
      %dma_wait3A_375 = tpu.memref_slice %arg6[%dma_wait3A_364, %dma_wait3A_373, %dma_wait3A_374] : memref<3x512x64xf32, #tpu.memory_space<vmem>> -> memref<1x512x64xf32, #tpu.memory_space<vmem>>
      %dma_wait3A_376 = tpu.memref_squeeze %dma_wait3A_375 : memref<1x512x64xf32, #tpu.memory_space<vmem>> -> memref<512x64xf32, #tpu.memory_space<vmem>>
      tpu.wait_dma2 semaphore(%arg8 : memref<!tpu.dma_semaphore, #tpu.memory_space<semaphore_mem>>) src(%dma_wait3A_376 : memref<512x64xf32, #tpu.memory_space<vmem>>) dst(%dma_wait3A_372 : memref<512x64xf32, #tpu.memory_space<hbm>>)
      %add3A_377 = arith.constant 2 : i32
      %add3A_378 = arith.addi %add3A_347, %add3A_377 : i32
      %dma_start3A_379 = arith.constant 1 : i32
      %dma_start3A_380 = arith.constant 0 : i32
      %dma_start3A_381 = arith.constant 0 : i32
      %dma_start3A_382 = tpu.memref_slice %arg6[%dma_start3A_379, %dma_start3A_380, %dma_start3A_381] : memref<3x512x64xf32, #tpu.memory_space<vmem>> -> memref<1x512x64xf32, #tpu.memory_space<vmem>>
      %dma_start3A_383 = tpu.memref_squeeze %dma_start3A_382 : memref<1x512x64xf32, #tpu.memory_space<vmem>> -> memref<512x64xf32, #tpu.memory_space<vmem>>
      %dma_start3A_384 = arith.constant 0 : i32
      %dma_start3A_385 = tpu.memref_slice %arg5[%add3A_378, %dma_start3A_384] : memref<50x512xi32, #tpu.memory_space<vmem>> -> memref<1x512xi32, #tpu.memory_space<vmem>>
      %dma_start3A_386 = tpu.memref_squeeze %dma_start3A_385 : memref<1x512xi32, #tpu.memory_space<vmem>> -> memref<512xi32, #tpu.memory_space<vmem>>
      %dma_start3A_387 = arith.constant 0 : i32
      %dma_start3A_388 = arith.constant 0 : i32
      %dma_start3A_389 = tpu.memref_slice %arg3[%dma_start3A_387, %dma_start3A_388] : memref<1000000x64xf32, #tpu.memory_space<hbm>> -> memref<1000000x64xf32, #tpu.memory_space<hbm>>
      tpu.enqueue_indirect_dma source(%dma_start3A_389 : memref<1000000x64xf32, #tpu.memory_space<hbm>>) target(%dma_start3A_383 : memref<512x64xf32, #tpu.memory_space<vmem>>) offsets(%dma_start3A_386 : memref<512xi32, #tpu.memory_space<vmem>>) semaphore(%arg7 : memref<!tpu.dma_semaphore, #tpu.memory_space<semaphore_mem>>)
      %mul3A_390 = arith.constant 512 : i32
      %mul3A_391 = arith.muli %add3A_347, %mul3A_390 : i32
      %add3A_392 = arith.addi %mul3A_2, %mul3A_391 : i32
      %dma_start3A_393 = arith.constant 2 : i32
      %dma_start3A_394 = arith.constant 0 : i32
      %dma_start3A_395 = arith.constant 0 : i32
      %dma_start3A_396 = tpu.memref_slice %arg6[%dma_start3A_393, %dma_start3A_394, %dma_start3A_395] : memref<3x512x64xf32, #tpu.memory_space<vmem>> -> memref<1x512x64xf32, #tpu.memory_space<vmem>>
      %dma_start3A_397 = tpu.memref_squeeze %dma_start3A_396 : memref<1x512x64xf32, #tpu.memory_space<vmem>> -> memref<512x64xf32, #tpu.memory_space<vmem>>
      %dma_start3A_398 = arith.constant 0 : i32
      %dma_start3A_399 = tpu.memref_slice %arg4[%add3A_392, %dma_start3A_398] : memref<819200x64xf32, #tpu.memory_space<hbm>> -> memref<512x64xf32, #tpu.memory_space<hbm>>
      %dma_start3A_400 = arith.constant 0 : i32
      %dma_start3A_401 = tpu.memref_slice %arg4[%add3A_392, %dma_start3A_400] : memref<819200x64xf32, #tpu.memory_space<hbm>> -> memref<512x64xf32, #tpu.memory_space<hbm>>
      %dma_start3A_402 = arith.constant 0 : i32
      %dma_start3A_403 = arith.constant 0 : i32
      %dma_start3A_404 = tpu.memref_slice %arg6[%dma_start3A_393, %dma_start3A_402, %dma_start3A_403] : memref<3x512x64xf32, #tpu.memory_space<vmem>> -> memref<1x512x64xf32, #tpu.memory_space<vmem>>
      %dma_start3A_405 = tpu.memref_squeeze %dma_start3A_404 : memref<1x512x64xf32, #tpu.memory_space<vmem>> -> memref<512x64xf32, #tpu.memory_space<vmem>>
      tpu.enqueue_dma source(%dma_start3A_405 : memref<512x64xf32, #tpu.memory_space<vmem>>) target(%dma_start3A_401 : memref<512x64xf32, #tpu.memory_space<hbm>>) target_semaphore(%arg8 : memref<!tpu.dma_semaphore, #tpu.memory_space<semaphore_mem>>)
      %mul3A_406 = arith.constant 3 : i32
      %mul3A_407 = arith.muli %scan3A_278, %mul3A_406 : i32
      %add3A_408 = arith.constant 1 : i32
      %add3A_409 = arith.addi %add3A_408, %mul3A_407 : i32
      %add3A_410 = arith.constant 2 : i32
      %add3A_411 = arith.addi %add3A_409, %add3A_410 : i32
      %dma_wait3A_412 = arith.constant 0 : i32
      %dma_wait3A_413 = arith.constant 0 : i32
      %dma_wait3A_414 = arith.constant 0 : i32
      %dma_wait3A_415 = tpu.memref_slice %arg6[%dma_wait3A_412, %dma_wait3A_413, %dma_wait3A_414] : memref<3x512x64xf32, #tpu.memory_space<vmem>> -> memref<1x512x64xf32, #tpu.memory_space<vmem>>
      %dma_wait3A_416 = tpu.memref_squeeze %dma_wait3A_415 : memref<1x512x64xf32, #tpu.memory_space<vmem>> -> memref<512x64xf32, #tpu.memory_space<vmem>>
      %dma_wait3A_417 = arith.constant 0 : i32
      %dma_wait3A_418 = tpu.memref_slice %arg5[%add3A_411, %dma_wait3A_417] : memref<50x512xi32, #tpu.memory_space<vmem>> -> memref<1x512xi32, #tpu.memory_space<vmem>>
      %dma_wait3A_419 = tpu.memref_squeeze %dma_wait3A_418 : memref<1x512xi32, #tpu.memory_space<vmem>> -> memref<512xi32, #tpu.memory_space<vmem>>
      %dma_wait3A_420 = arith.constant 0 : i32
      %dma_wait3A_421 = arith.constant 0 : i32
      %dma_wait3A_422 = tpu.memref_slice %arg3[%dma_wait3A_420, %dma_wait3A_421] : memref<1000000x64xf32, #tpu.memory_space<hbm>> -> memref<1000000x64xf32, #tpu.memory_space<hbm>>
      tpu.wait_indirect_dma semaphore(%arg7 : memref<!tpu.dma_semaphore, #tpu.memory_space<semaphore_mem>>) src(%dma_wait3A_422 : memref<1000000x64xf32, #tpu.memory_space<hbm>>) dst(%dma_wait3A_416 : memref<512x64xf32, #tpu.memory_space<vmem>>)
      %sub3A_423 = arith.constant 1 : i32
      %sub3A_424 = arith.subi %add3A_411, %sub3A_423 : i32
      %mul3A_425 = arith.constant 512 : i32
      %mul3A_426 = arith.muli %sub3A_424, %mul3A_425 : i32
      %add3A_427 = arith.addi %mul3A_2, %mul3A_426 : i32
      %dma_wait3A_428 = arith.constant 2 : i32
      %dma_wait3A_429 = arith.constant 0 : i32
      %dma_wait3A_430 = arith.constant 0 : i32
      %dma_wait3A_431 = tpu.memref_slice %arg6[%dma_wait3A_428, %dma_wait3A_429, %dma_wait3A_430] : memref<3x512x64xf32, #tpu.memory_space<vmem>> -> memref<1x512x64xf32, #tpu.memory_space<vmem>>
      %dma_wait3A_432 = tpu.memref_squeeze %dma_wait3A_431 : memref<1x512x64xf32, #tpu.memory_space<vmem>> -> memref<512x64xf32, #tpu.memory_space<vmem>>
      %dma_wait3A_433 = arith.constant 0 : i32
      %dma_wait3A_434 = tpu.memref_slice %arg4[%add3A_427, %dma_wait3A_433] : memref<819200x64xf32, #tpu.memory_space<hbm>> -> memref<512x64xf32, #tpu.memory_space<hbm>>
      %dma_wait3A_435 = arith.constant 0 : i32
      %dma_wait3A_436 = tpu.memref_slice %arg4[%add3A_427, %dma_wait3A_435] : memref<819200x64xf32, #tpu.memory_space<hbm>> -> memref<512x64xf32, #tpu.memory_space<hbm>>
      %dma_wait3A_437 = arith.constant 0 : i32
      %dma_wait3A_438 = arith.constant 0 : i32
      %dma_wait3A_439 = tpu.memref_slice %arg6[%dma_wait3A_428, %dma_wait3A_437, %dma_wait3A_438] : memref<3x512x64xf32, #tpu.memory_space<vmem>> -> memref<1x512x64xf32, #tpu.memory_space<vmem>>
      %dma_wait3A_440 = tpu.memref_squeeze %dma_wait3A_439 : memref<1x512x64xf32, #tpu.memory_space<vmem>> -> memref<512x64xf32, #tpu.memory_space<vmem>>
      tpu.wait_dma2 semaphore(%arg8 : memref<!tpu.dma_semaphore, #tpu.memory_space<semaphore_mem>>) src(%dma_wait3A_440 : memref<512x64xf32, #tpu.memory_space<vmem>>) dst(%dma_wait3A_436 : memref<512x64xf32, #tpu.memory_space<hbm>>)
      %add3A_441 = arith.constant 2 : i32
      %add3A_442 = arith.addi %add3A_411, %add3A_441 : i32
      %dma_start3A_443 = arith.constant 2 : i32
      %dma_start3A_444 = arith.constant 0 : i32
      %dma_start3A_445 = arith.constant 0 : i32
      %dma_start3A_446 = tpu.memref_slice %arg6[%dma_start3A_443, %dma_start3A_444, %dma_start3A_445] : memref<3x512x64xf32, #tpu.memory_space<vmem>> -> memref<1x512x64xf32, #tpu.memory_space<vmem>>
      %dma_start3A_447 = tpu.memref_squeeze %dma_start3A_446 : memref<1x512x64xf32, #tpu.memory_space<vmem>> -> memref<512x64xf32, #tpu.memory_space<vmem>>
      %dma_start3A_448 = arith.constant 0 : i32
      %dma_start3A_449 = tpu.memref_slice %arg5[%add3A_442, %dma_start3A_448] : memref<50x512xi32, #tpu.memory_space<vmem>> -> memref<1x512xi32, #tpu.memory_space<vmem>>
      %dma_start3A_450 = tpu.memref_squeeze %dma_start3A_449 : memref<1x512xi32, #tpu.memory_space<vmem>> -> memref<512xi32, #tpu.memory_space<vmem>>
      %dma_start3A_451 = arith.constant 0 : i32
      %dma_start3A_452 = arith.constant 0 : i32
      %dma_start3A_453 = tpu.memref_slice %arg3[%dma_start3A_451, %dma_start3A_452] : memref<1000000x64xf32, #tpu.memory_space<hbm>> -> memref<1000000x64xf32, #tpu.memory_space<hbm>>
      tpu.enqueue_indirect_dma source(%dma_start3A_453 : memref<1000000x64xf32, #tpu.memory_space<hbm>>) target(%dma_start3A_447 : memref<512x64xf32, #tpu.memory_space<vmem>>) offsets(%dma_start3A_450 : memref<512xi32, #tpu.memory_space<vmem>>) semaphore(%arg7 : memref<!tpu.dma_semaphore, #tpu.memory_space<semaphore_mem>>)
      %mul3A_454 = arith.constant 512 : i32
      %mul3A_455 = arith.muli %add3A_411, %mul3A_454 : i32
      %add3A_456 = arith.addi %mul3A_2, %mul3A_455 : i32
      %dma_start3A_457 = arith.constant 0 : i32
      %dma_start3A_458 = arith.constant 0 : i32
      %dma_start3A_459 = arith.constant 0 : i32
      %dma_start3A_460 = tpu.memref_slice %arg6[%dma_start3A_457, %dma_start3A_458, %dma_start3A_459] : memref<3x512x64xf32, #tpu.memory_space<vmem>> -> memref<1x512x64xf32, #tpu.memory_space<vmem>>
      %dma_start3A_461 = tpu.memref_squeeze %dma_start3A_460 : memref<1x512x64xf32, #tpu.memory_space<vmem>> -> memref<512x64xf32, #tpu.memory_space<vmem>>
      %dma_start3A_462 = arith.constant 0 : i32
      %dma_start3A_463 = tpu.memref_slice %arg4[%add3A_456, %dma_start3A_462] : memref<819200x64xf32, #tpu.memory_space<hbm>> -> memref<512x64xf32, #tpu.memory_space<hbm>>
      %dma_start3A_464 = arith.constant 0 : i32
      %dma_start3A_465 = tpu.memref_slice %arg4[%add3A_456, %dma_start3A_464] : memref<819200x64xf32, #tpu.memory_space<hbm>> -> memref<512x64xf32, #tpu.memory_space<hbm>>
      %dma_start3A_466 = arith.constant 0 : i32
      %dma_start3A_467 = arith.constant 0 : i32
      %dma_start3A_468 = tpu.memref_slice %arg6[%dma_start3A_457, %dma_start3A_466, %dma_start3A_467] : memref<3x512x64xf32, #tpu.memory_space<vmem>> -> memref<1x512x64xf32, #tpu.memory_space<vmem>>
      %dma_start3A_469 = tpu.memref_squeeze %dma_start3A_468 : memref<1x512x64xf32, #tpu.memory_space<vmem>> -> memref<512x64xf32, #tpu.memory_space<vmem>>
      tpu.enqueue_dma source(%dma_start3A_469 : memref<512x64xf32, #tpu.memory_space<vmem>>) target(%dma_start3A_465 : memref<512x64xf32, #tpu.memory_space<hbm>>) target_semaphore(%arg8 : memref<!tpu.dma_semaphore, #tpu.memory_space<semaphore_mem>>)
    }
    %scan3A_70 = arith.constant 15 : i32
    %dma_wait3A_71 = arith.constant 46 : i32
    %dma_wait3A_72 = arith.constant 1 : i32
    %dma_wait3A_73 = arith.constant 0 : i32
    %dma_wait3A_74 = arith.constant 0 : i32
    %dma_wait3A_75 = tpu.memref_slice %arg6[%dma_wait3A_72, %dma_wait3A_73, %dma_wait3A_74] : memref<3x512x64xf32, #tpu.memory_space<vmem>> -> memref<1x512x64xf32, #tpu.memory_space<vmem>>
    %dma_wait3A_76 = tpu.memref_squeeze %dma_wait3A_75 : memref<1x512x64xf32, #tpu.memory_space<vmem>> -> memref<512x64xf32, #tpu.memory_space<vmem>>
    %dma_wait3A_77 = arith.constant 0 : i32
    %dma_wait3A_78 = tpu.memref_slice %arg5[%dma_wait3A_71, %dma_wait3A_77] : memref<50x512xi32, #tpu.memory_space<vmem>> -> memref<1x512xi32, #tpu.memory_space<vmem>>
    %dma_wait3A_79 = tpu.memref_squeeze %dma_wait3A_78 : memref<1x512xi32, #tpu.memory_space<vmem>> -> memref<512xi32, #tpu.memory_space<vmem>>
    %dma_wait3A_80 = arith.constant 0 : i32
    %dma_wait3A_81 = arith.constant 0 : i32
    %dma_wait3A_82 = tpu.memref_slice %arg3[%dma_wait3A_80, %dma_wait3A_81] : memref<1000000x64xf32, #tpu.memory_space<hbm>> -> memref<1000000x64xf32, #tpu.memory_space<hbm>>
    tpu.wait_indirect_dma semaphore(%arg7 : memref<!tpu.dma_semaphore, #tpu.memory_space<semaphore_mem>>) src(%dma_wait3A_82 : memref<1000000x64xf32, #tpu.memory_space<hbm>>) dst(%dma_wait3A_76 : memref<512x64xf32, #tpu.memory_space<vmem>>)
    %add3A_83 = arith.constant 23040 : i32
    %add3A_84 = arith.addi %mul3A_2, %add3A_83 : i32
    %dma_wait3A_85 = arith.constant 0 : i32
    %dma_wait3A_86 = arith.constant 0 : i32
    %dma_wait3A_87 = arith.constant 0 : i32
    %dma_wait3A_88 = tpu.memref_slice %arg6[%dma_wait3A_85, %dma_wait3A_86, %dma_wait3A_87] : memref<3x512x64xf32, #tpu.memory_space<vmem>> -> memref<1x512x64xf32, #tpu.memory_space<vmem>>
    %dma_wait3A_89 = tpu.memref_squeeze %dma_wait3A_88 : memref<1x512x64xf32, #tpu.memory_space<vmem>> -> memref<512x64xf32, #tpu.memory_space<vmem>>
    %dma_wait3A_90 = arith.constant 0 : i32
    %dma_wait3A_91 = tpu.memref_slice %arg4[%add3A_84, %dma_wait3A_90] : memref<819200x64xf32, #tpu.memory_space<hbm>> -> memref<512x64xf32, #tpu.memory_space<hbm>>
    %dma_wait3A_92 = arith.constant 0 : i32
    %dma_wait3A_93 = tpu.memref_slice %arg4[%add3A_84, %dma_wait3A_92] : memref<819200x64xf32, #tpu.memory_space<hbm>> -> memref<512x64xf32, #tpu.memory_space<hbm>>
    %dma_wait3A_94 = arith.constant 0 : i32
    %dma_wait3A_95 = arith.constant 0 : i32
    %dma_wait3A_96 = tpu.memref_slice %arg6[%dma_wait3A_85, %dma_wait3A_94, %dma_wait3A_95] : memref<3x512x64xf32, #tpu.memory_space<vmem>> -> memref<1x512x64xf32, #tpu.memory_space<vmem>>
    %dma_wait3A_97 = tpu.memref_squeeze %dma_wait3A_96 : memref<1x512x64xf32, #tpu.memory_space<vmem>> -> memref<512x64xf32, #tpu.memory_space<vmem>>
    tpu.wait_dma2 semaphore(%arg8 : memref<!tpu.dma_semaphore, #tpu.memory_space<semaphore_mem>>) src(%dma_wait3A_97 : memref<512x64xf32, #tpu.memory_space<vmem>>) dst(%dma_wait3A_93 : memref<512x64xf32, #tpu.memory_space<hbm>>)
    %dma_start3A_98 = arith.constant 48 : i32
    %dma_start3A_99 = arith.constant 0 : i32
    %dma_start3A_100 = arith.constant 0 : i32
    %dma_start3A_101 = arith.constant 0 : i32
    %dma_start3A_102 = tpu.memref_slice %arg6[%dma_start3A_99, %dma_start3A_100, %dma_start3A_101] : memref<3x512x64xf32, #tpu.memory_space<vmem>> -> memref<1x512x64xf32, #tpu.memory_space<vmem>>
    %dma_start3A_103 = tpu.memref_squeeze %dma_start3A_102 : memref<1x512x64xf32, #tpu.memory_space<vmem>> -> memref<512x64xf32, #tpu.memory_space<vmem>>
    %dma_start3A_104 = arith.constant 0 : i32
    %dma_start3A_105 = tpu.memref_slice %arg5[%dma_start3A_98, %dma_start3A_104] : memref<50x512xi32, #tpu.memory_space<vmem>> -> memref<1x512xi32, #tpu.memory_space<vmem>>
    %dma_start3A_106 = tpu.memref_squeeze %dma_start3A_105 : memref<1x512xi32, #tpu.memory_space<vmem>> -> memref<512xi32, #tpu.memory_space<vmem>>
    %dma_start3A_107 = arith.constant 0 : i32
    %dma_start3A_108 = arith.constant 0 : i32
    %dma_start3A_109 = tpu.memref_slice %arg3[%dma_start3A_107, %dma_start3A_108] : memref<1000000x64xf32, #tpu.memory_space<hbm>> -> memref<1000000x64xf32, #tpu.memory_space<hbm>>
    tpu.enqueue_indirect_dma source(%dma_start3A_109 : memref<1000000x64xf32, #tpu.memory_space<hbm>>) target(%dma_start3A_103 : memref<512x64xf32, #tpu.memory_space<vmem>>) offsets(%dma_start3A_106 : memref<512xi32, #tpu.memory_space<vmem>>) semaphore(%arg7 : memref<!tpu.dma_semaphore, #tpu.memory_space<semaphore_mem>>)
    %add3A_110 = arith.constant 23552 : i32
    %add3A_111 = arith.addi %mul3A_2, %add3A_110 : i32
    %dma_start3A_112 = arith.constant 1 : i32
    %dma_start3A_113 = arith.constant 0 : i32
    %dma_start3A_114 = arith.constant 0 : i32
    %dma_start3A_115 = tpu.memref_slice %arg6[%dma_start3A_112, %dma_start3A_113, %dma_start3A_114] : memref<3x512x64xf32, #tpu.memory_space<vmem>> -> memref<1x512x64xf32, #tpu.memory_space<vmem>>
    %dma_start3A_116 = tpu.memref_squeeze %dma_start3A_115 : memref<1x512x64xf32, #tpu.memory_space<vmem>> -> memref<512x64xf32, #tpu.memory_space<vmem>>
    %dma_start3A_117 = arith.constant 0 : i32
    %dma_start3A_118 = tpu.memref_slice %arg4[%add3A_111, %dma_start3A_117] : memref<819200x64xf32, #tpu.memory_space<hbm>> -> memref<512x64xf32, #tpu.memory_space<hbm>>
    %dma_start3A_119 = arith.constant 0 : i32
    %dma_start3A_120 = tpu.memref_slice %arg4[%add3A_111, %dma_start3A_119] : memref<819200x64xf32, #tpu.memory_space<hbm>> -> memref<512x64xf32, #tpu.memory_space<hbm>>
    %dma_start3A_121 = arith.constant 0 : i32
    %dma_start3A_122 = arith.constant 0 : i32
    %dma_start3A_123 = tpu.memref_slice %arg6[%dma_start3A_112, %dma_start3A_121, %dma_start3A_122] : memref<3x512x64xf32, #tpu.memory_space<vmem>> -> memref<1x512x64xf32, #tpu.memory_space<vmem>>
    %dma_start3A_124 = tpu.memref_squeeze %dma_start3A_123 : memref<1x512x64xf32, #tpu.memory_space<vmem>> -> memref<512x64xf32, #tpu.memory_space<vmem>>
    tpu.enqueue_dma source(%dma_start3A_124 : memref<512x64xf32, #tpu.memory_space<vmem>>) target(%dma_start3A_120 : memref<512x64xf32, #tpu.memory_space<hbm>>) target_semaphore(%arg8 : memref<!tpu.dma_semaphore, #tpu.memory_space<semaphore_mem>>)
    %dma_wait3A_125 = arith.constant 47 : i32
    %dma_wait3A_126 = arith.constant 2 : i32
    %dma_wait3A_127 = arith.constant 0 : i32
    %dma_wait3A_128 = arith.constant 0 : i32
    %dma_wait3A_129 = tpu.memref_slice %arg6[%dma_wait3A_126, %dma_wait3A_127, %dma_wait3A_128] : memref<3x512x64xf32, #tpu.memory_space<vmem>> -> memref<1x512x64xf32, #tpu.memory_space<vmem>>
    %dma_wait3A_130 = tpu.memref_squeeze %dma_wait3A_129 : memref<1x512x64xf32, #tpu.memory_space<vmem>> -> memref<512x64xf32, #tpu.memory_space<vmem>>
    %dma_wait3A_131 = arith.constant 0 : i32
    %dma_wait3A_132 = tpu.memref_slice %arg5[%dma_wait3A_125, %dma_wait3A_131] : memref<50x512xi32, #tpu.memory_space<vmem>> -> memref<1x512xi32, #tpu.memory_space<vmem>>
    %dma_wait3A_133 = tpu.memref_squeeze %dma_wait3A_132 : memref<1x512xi32, #tpu.memory_space<vmem>> -> memref<512xi32, #tpu.memory_space<vmem>>
    %dma_wait3A_134 = arith.constant 0 : i32
    %dma_wait3A_135 = arith.constant 0 : i32
    %dma_wait3A_136 = tpu.memref_slice %arg3[%dma_wait3A_134, %dma_wait3A_135] : memref<1000000x64xf32, #tpu.memory_space<hbm>> -> memref<1000000x64xf32, #tpu.memory_space<hbm>>
    tpu.wait_indirect_dma semaphore(%arg7 : memref<!tpu.dma_semaphore, #tpu.memory_space<semaphore_mem>>) src(%dma_wait3A_136 : memref<1000000x64xf32, #tpu.memory_space<hbm>>) dst(%dma_wait3A_130 : memref<512x64xf32, #tpu.memory_space<vmem>>)
    %add3A_137 = arith.constant 23552 : i32
    %add3A_138 = arith.addi %mul3A_2, %add3A_137 : i32
    %dma_wait3A_139 = arith.constant 1 : i32
    %dma_wait3A_140 = arith.constant 0 : i32
    %dma_wait3A_141 = arith.constant 0 : i32
    %dma_wait3A_142 = tpu.memref_slice %arg6[%dma_wait3A_139, %dma_wait3A_140, %dma_wait3A_141] : memref<3x512x64xf32, #tpu.memory_space<vmem>> -> memref<1x512x64xf32, #tpu.memory_space<vmem>>
    %dma_wait3A_143 = tpu.memref_squeeze %dma_wait3A_142 : memref<1x512x64xf32, #tpu.memory_space<vmem>> -> memref<512x64xf32, #tpu.memory_space<vmem>>
    %dma_wait3A_144 = arith.constant 0 : i32
    %dma_wait3A_145 = tpu.memref_slice %arg4[%add3A_138, %dma_wait3A_144] : memref<819200x64xf32, #tpu.memory_space<hbm>> -> memref<512x64xf32, #tpu.memory_space<hbm>>
    %dma_wait3A_146 = arith.constant 0 : i32
    %dma_wait3A_147 = tpu.memref_slice %arg4[%add3A_138, %dma_wait3A_146] : memref<819200x64xf32, #tpu.memory_space<hbm>> -> memref<512x64xf32, #tpu.memory_space<hbm>>
    %dma_wait3A_148 = arith.constant 0 : i32
    %dma_wait3A_149 = arith.constant 0 : i32
    %dma_wait3A_150 = tpu.memref_slice %arg6[%dma_wait3A_139, %dma_wait3A_148, %dma_wait3A_149] : memref<3x512x64xf32, #tpu.memory_space<vmem>> -> memref<1x512x64xf32, #tpu.memory_space<vmem>>
    %dma_wait3A_151 = tpu.memref_squeeze %dma_wait3A_150 : memref<1x512x64xf32, #tpu.memory_space<vmem>> -> memref<512x64xf32, #tpu.memory_space<vmem>>
    tpu.wait_dma2 semaphore(%arg8 : memref<!tpu.dma_semaphore, #tpu.memory_space<semaphore_mem>>) src(%dma_wait3A_151 : memref<512x64xf32, #tpu.memory_space<vmem>>) dst(%dma_wait3A_147 : memref<512x64xf32, #tpu.memory_space<hbm>>)
    %dma_start3A_152 = arith.constant 49 : i32
    %dma_start3A_153 = arith.constant 1 : i32
    %dma_start3A_154 = arith.constant 0 : i32
    %dma_start3A_155 = arith.constant 0 : i32
    %dma_start3A_156 = tpu.memref_slice %arg6[%dma_start3A_153, %dma_start3A_154, %dma_start3A_155] : memref<3x512x64xf32, #tpu.memory_space<vmem>> -> memref<1x512x64xf32, #tpu.memory_space<vmem>>
    %dma_start3A_157 = tpu.memref_squeeze %dma_start3A_156 : memref<1x512x64xf32, #tpu.memory_space<vmem>> -> memref<512x64xf32, #tpu.memory_space<vmem>>
    %dma_start3A_158 = arith.constant 0 : i32
    %dma_start3A_159 = tpu.memref_slice %arg5[%dma_start3A_152, %dma_start3A_158] : memref<50x512xi32, #tpu.memory_space<vmem>> -> memref<1x512xi32, #tpu.memory_space<vmem>>
    %dma_start3A_160 = tpu.memref_squeeze %dma_start3A_159 : memref<1x512xi32, #tpu.memory_space<vmem>> -> memref<512xi32, #tpu.memory_space<vmem>>
    %dma_start3A_161 = arith.constant 0 : i32
    %dma_start3A_162 = arith.constant 0 : i32
    %dma_start3A_163 = tpu.memref_slice %arg3[%dma_start3A_161, %dma_start3A_162] : memref<1000000x64xf32, #tpu.memory_space<hbm>> -> memref<1000000x64xf32, #tpu.memory_space<hbm>>
    tpu.enqueue_indirect_dma source(%dma_start3A_163 : memref<1000000x64xf32, #tpu.memory_space<hbm>>) target(%dma_start3A_157 : memref<512x64xf32, #tpu.memory_space<vmem>>) offsets(%dma_start3A_160 : memref<512xi32, #tpu.memory_space<vmem>>) semaphore(%arg7 : memref<!tpu.dma_semaphore, #tpu.memory_space<semaphore_mem>>)
    %add3A_164 = arith.constant 24064 : i32
    %add3A_165 = arith.addi %mul3A_2, %add3A_164 : i32
    %dma_start3A_166 = arith.constant 2 : i32
    %dma_start3A_167 = arith.constant 0 : i32
    %dma_start3A_168 = arith.constant 0 : i32
    %dma_start3A_169 = tpu.memref_slice %arg6[%dma_start3A_166, %dma_start3A_167, %dma_start3A_168] : memref<3x512x64xf32, #tpu.memory_space<vmem>> -> memref<1x512x64xf32, #tpu.memory_space<vmem>>
    %dma_start3A_170 = tpu.memref_squeeze %dma_start3A_169 : memref<1x512x64xf32, #tpu.memory_space<vmem>> -> memref<512x64xf32, #tpu.memory_space<vmem>>
    %dma_start3A_171 = arith.constant 0 : i32
    %dma_start3A_172 = tpu.memref_slice %arg4[%add3A_165, %dma_start3A_171] : memref<819200x64xf32, #tpu.memory_space<hbm>> -> memref<512x64xf32, #tpu.memory_space<hbm>>
    %dma_start3A_173 = arith.constant 0 : i32
    %dma_start3A_174 = tpu.memref_slice %arg4[%add3A_165, %dma_start3A_173] : memref<819200x64xf32, #tpu.memory_space<hbm>> -> memref<512x64xf32, #tpu.memory_space<hbm>>
    %dma_start3A_175 = arith.constant 0 : i32
    %dma_start3A_176 = arith.constant 0 : i32
    %dma_start3A_177 = tpu.memref_slice %arg6[%dma_start3A_166, %dma_start3A_175, %dma_start3A_176] : memref<3x512x64xf32, #tpu.memory_space<vmem>> -> memref<1x512x64xf32, #tpu.memory_space<vmem>>
    %dma_start3A_178 = tpu.memref_squeeze %dma_start3A_177 : memref<1x512x64xf32, #tpu.memory_space<vmem>> -> memref<512x64xf32, #tpu.memory_space<vmem>>
    tpu.enqueue_dma source(%dma_start3A_178 : memref<512x64xf32, #tpu.memory_space<vmem>>) target(%dma_start3A_174 : memref<512x64xf32, #tpu.memory_space<hbm>>) target_semaphore(%arg8 : memref<!tpu.dma_semaphore, #tpu.memory_space<semaphore_mem>>)
    %dma_wait3A_179 = arith.constant 48 : i32
    %dma_wait3A_180 = arith.constant 0 : i32
    %dma_wait3A_181 = arith.constant 0 : i32
    %dma_wait3A_182 = arith.constant 0 : i32
    %dma_wait3A_183 = tpu.memref_slice %arg6[%dma_wait3A_180, %dma_wait3A_181, %dma_wait3A_182] : memref<3x512x64xf32, #tpu.memory_space<vmem>> -> memref<1x512x64xf32, #tpu.memory_space<vmem>>
    %dma_wait3A_184 = tpu.memref_squeeze %dma_wait3A_183 : memref<1x512x64xf32, #tpu.memory_space<vmem>> -> memref<512x64xf32, #tpu.memory_space<vmem>>
    %dma_wait3A_185 = arith.constant 0 : i32
    %dma_wait3A_186 = tpu.memref_slice %arg5[%dma_wait3A_179, %dma_wait3A_185] : memref<50x512xi32, #tpu.memory_space<vmem>> -> memref<1x512xi32, #tpu.memory_space<vmem>>
    %dma_wait3A_187 = tpu.memref_squeeze %dma_wait3A_186 : memref<1x512xi32, #tpu.memory_space<vmem>> -> memref<512xi32, #tpu.memory_space<vmem>>
    %dma_wait3A_188 = arith.constant 0 : i32
    %dma_wait3A_189 = arith.constant 0 : i32
    %dma_wait3A_190 = tpu.memref_slice %arg3[%dma_wait3A_188, %dma_wait3A_189] : memref<1000000x64xf32, #tpu.memory_space<hbm>> -> memref<1000000x64xf32, #tpu.memory_space<hbm>>
    tpu.wait_indirect_dma semaphore(%arg7 : memref<!tpu.dma_semaphore, #tpu.memory_space<semaphore_mem>>) src(%dma_wait3A_190 : memref<1000000x64xf32, #tpu.memory_space<hbm>>) dst(%dma_wait3A_184 : memref<512x64xf32, #tpu.memory_space<vmem>>)
    %add3A_191 = arith.constant 24064 : i32
    %add3A_192 = arith.addi %mul3A_2, %add3A_191 : i32
    %dma_wait3A_193 = arith.constant 2 : i32
    %dma_wait3A_194 = arith.constant 0 : i32
    %dma_wait3A_195 = arith.constant 0 : i32
    %dma_wait3A_196 = tpu.memref_slice %arg6[%dma_wait3A_193, %dma_wait3A_194, %dma_wait3A_195] : memref<3x512x64xf32, #tpu.memory_space<vmem>> -> memref<1x512x64xf32, #tpu.memory_space<vmem>>
    %dma_wait3A_197 = tpu.memref_squeeze %dma_wait3A_196 : memref<1x512x64xf32, #tpu.memory_space<vmem>> -> memref<512x64xf32, #tpu.memory_space<vmem>>
    %dma_wait3A_198 = arith.constant 0 : i32
    %dma_wait3A_199 = tpu.memref_slice %arg4[%add3A_192, %dma_wait3A_198] : memref<819200x64xf32, #tpu.memory_space<hbm>> -> memref<512x64xf32, #tpu.memory_space<hbm>>
    %dma_wait3A_200 = arith.constant 0 : i32
    %dma_wait3A_201 = tpu.memref_slice %arg4[%add3A_192, %dma_wait3A_200] : memref<819200x64xf32, #tpu.memory_space<hbm>> -> memref<512x64xf32, #tpu.memory_space<hbm>>
    %dma_wait3A_202 = arith.constant 0 : i32
    %dma_wait3A_203 = arith.constant 0 : i32
    %dma_wait3A_204 = tpu.memref_slice %arg6[%dma_wait3A_193, %dma_wait3A_202, %dma_wait3A_203] : memref<3x512x64xf32, #tpu.memory_space<vmem>> -> memref<1x512x64xf32, #tpu.memory_space<vmem>>
    %dma_wait3A_205 = tpu.memref_squeeze %dma_wait3A_204 : memref<1x512x64xf32, #tpu.memory_space<vmem>> -> memref<512x64xf32, #tpu.memory_space<vmem>>
    tpu.wait_dma2 semaphore(%arg8 : memref<!tpu.dma_semaphore, #tpu.memory_space<semaphore_mem>>) src(%dma_wait3A_205 : memref<512x64xf32, #tpu.memory_space<vmem>>) dst(%dma_wait3A_201 : memref<512x64xf32, #tpu.memory_space<hbm>>)
    %add3A_206 = arith.constant 24576 : i32
    %add3A_207 = arith.addi %mul3A_2, %add3A_206 : i32
    %dma_start3A_208 = arith.constant 0 : i32
    %dma_start3A_209 = arith.constant 0 : i32
    %dma_start3A_210 = arith.constant 0 : i32
    %dma_start3A_211 = tpu.memref_slice %arg6[%dma_start3A_208, %dma_start3A_209, %dma_start3A_210] : memref<3x512x64xf32, #tpu.memory_space<vmem>> -> memref<1x512x64xf32, #tpu.memory_space<vmem>>
    %dma_start3A_212 = tpu.memref_squeeze %dma_start3A_211 : memref<1x512x64xf32, #tpu.memory_space<vmem>> -> memref<512x64xf32, #tpu.memory_space<vmem>>
    %dma_start3A_213 = arith.constant 0 : i32
    %dma_start3A_214 = tpu.memref_slice %arg4[%add3A_207, %dma_start3A_213] : memref<819200x64xf32, #tpu.memory_space<hbm>> -> memref<512x64xf32, #tpu.memory_space<hbm>>
    %dma_start3A_215 = arith.constant 0 : i32
    %dma_start3A_216 = tpu.memref_slice %arg4[%add3A_207, %dma_start3A_215] : memref<819200x64xf32, #tpu.memory_space<hbm>> -> memref<512x64xf32, #tpu.memory_space<hbm>>
    %dma_start3A_217 = arith.constant 0 : i32
    %dma_start3A_218 = arith.constant 0 : i32
    %dma_start3A_219 = tpu.memref_slice %arg6[%dma_start3A_208, %dma_start3A_217, %dma_start3A_218] : memref<3x512x64xf32, #tpu.memory_space<vmem>> -> memref<1x512x64xf32, #tpu.memory_space<vmem>>
    %dma_start3A_220 = tpu.memref_squeeze %dma_start3A_219 : memref<1x512x64xf32, #tpu.memory_space<vmem>> -> memref<512x64xf32, #tpu.memory_space<vmem>>
    tpu.enqueue_dma source(%dma_start3A_220 : memref<512x64xf32, #tpu.memory_space<vmem>>) target(%dma_start3A_216 : memref<512x64xf32, #tpu.memory_space<hbm>>) target_semaphore(%arg8 : memref<!tpu.dma_semaphore, #tpu.memory_space<semaphore_mem>>)
    %dma_wait3A_221 = arith.constant 49 : i32
    %dma_wait3A_222 = arith.constant 1 : i32
    %dma_wait3A_223 = arith.constant 0 : i32
    %dma_wait3A_224 = arith.constant 0 : i32
    %dma_wait3A_225 = tpu.memref_slice %arg6[%dma_wait3A_222, %dma_wait3A_223, %dma_wait3A_224] : memref<3x512x64xf32, #tpu.memory_space<vmem>> -> memref<1x512x64xf32, #tpu.memory_space<vmem>>
    %dma_wait3A_226 = tpu.memref_squeeze %dma_wait3A_225 : memref<1x512x64xf32, #tpu.memory_space<vmem>> -> memref<512x64xf32, #tpu.memory_space<vmem>>
    %dma_wait3A_227 = arith.constant 0 : i32
    %dma_wait3A_228 = tpu.memref_slice %arg5[%dma_wait3A_221, %dma_wait3A_227] : memref<50x512xi32, #tpu.memory_space<vmem>> -> memref<1x512xi32, #tpu.memory_space<vmem>>
    %dma_wait3A_229 = tpu.memref_squeeze %dma_wait3A_228 : memref<1x512xi32, #tpu.memory_space<vmem>> -> memref<512xi32, #tpu.memory_space<vmem>>
    %dma_wait3A_230 = arith.constant 0 : i32
    %dma_wait3A_231 = arith.constant 0 : i32
    %dma_wait3A_232 = tpu.memref_slice %arg3[%dma_wait3A_230, %dma_wait3A_231] : memref<1000000x64xf32, #tpu.memory_space<hbm>> -> memref<1000000x64xf32, #tpu.memory_space<hbm>>
    tpu.wait_indirect_dma semaphore(%arg7 : memref<!tpu.dma_semaphore, #tpu.memory_space<semaphore_mem>>) src(%dma_wait3A_232 : memref<1000000x64xf32, #tpu.memory_space<hbm>>) dst(%dma_wait3A_226 : memref<512x64xf32, #tpu.memory_space<vmem>>)
    %add3A_233 = arith.constant 24576 : i32
    %add3A_234 = arith.addi %mul3A_2, %add3A_233 : i32
    %dma_wait3A_235 = arith.constant 0 : i32
    %dma_wait3A_236 = arith.constant 0 : i32
    %dma_wait3A_237 = arith.constant 0 : i32
    %dma_wait3A_238 = tpu.memref_slice %arg6[%dma_wait3A_235, %dma_wait3A_236, %dma_wait3A_237] : memref<3x512x64xf32, #tpu.memory_space<vmem>> -> memref<1x512x64xf32, #tpu.memory_space<vmem>>
    %dma_wait3A_239 = tpu.memref_squeeze %dma_wait3A_238 : memref<1x512x64xf32, #tpu.memory_space<vmem>> -> memref<512x64xf32, #tpu.memory_space<vmem>>
    %dma_wait3A_240 = arith.constant 0 : i32
    %dma_wait3A_241 = tpu.memref_slice %arg4[%add3A_234, %dma_wait3A_240] : memref<819200x64xf32, #tpu.memory_space<hbm>> -> memref<512x64xf32, #tpu.memory_space<hbm>>
    %dma_wait3A_242 = arith.constant 0 : i32
    %dma_wait3A_243 = tpu.memref_slice %arg4[%add3A_234, %dma_wait3A_242] : memref<819200x64xf32, #tpu.memory_space<hbm>> -> memref<512x64xf32, #tpu.memory_space<hbm>>
    %dma_wait3A_244 = arith.constant 0 : i32
    %dma_wait3A_245 = arith.constant 0 : i32
    %dma_wait3A_246 = tpu.memref_slice %arg6[%dma_wait3A_235, %dma_wait3A_244, %dma_wait3A_245] : memref<3x512x64xf32, #tpu.memory_space<vmem>> -> memref<1x512x64xf32, #tpu.memory_space<vmem>>
    %dma_wait3A_247 = tpu.memref_squeeze %dma_wait3A_246 : memref<1x512x64xf32, #tpu.memory_space<vmem>> -> memref<512x64xf32, #tpu.memory_space<vmem>>
    tpu.wait_dma2 semaphore(%arg8 : memref<!tpu.dma_semaphore, #tpu.memory_space<semaphore_mem>>) src(%dma_wait3A_247 : memref<512x64xf32, #tpu.memory_space<vmem>>) dst(%dma_wait3A_243 : memref<512x64xf32, #tpu.memory_space<hbm>>)
    %add3A_248 = arith.constant 25088 : i32
    %add3A_249 = arith.addi %mul3A_2, %add3A_248 : i32
    %dma_start3A_250 = arith.constant 1 : i32
    %dma_start3A_251 = arith.constant 0 : i32
    %dma_start3A_252 = arith.constant 0 : i32
    %dma_start3A_253 = tpu.memref_slice %arg6[%dma_start3A_250, %dma_start3A_251, %dma_start3A_252] : memref<3x512x64xf32, #tpu.memory_space<vmem>> -> memref<1x512x64xf32, #tpu.memory_space<vmem>>
    %dma_start3A_254 = tpu.memref_squeeze %dma_start3A_253 : memref<1x512x64xf32, #tpu.memory_space<vmem>> -> memref<512x64xf32, #tpu.memory_space<vmem>>
    %dma_start3A_255 = arith.constant 0 : i32
    %dma_start3A_256 = tpu.memref_slice %arg4[%add3A_249, %dma_start3A_255] : memref<819200x64xf32, #tpu.memory_space<hbm>> -> memref<512x64xf32, #tpu.memory_space<hbm>>
    %dma_start3A_257 = arith.constant 0 : i32
    %dma_start3A_258 = tpu.memref_slice %arg4[%add3A_249, %dma_start3A_257] : memref<819200x64xf32, #tpu.memory_space<hbm>> -> memref<512x64xf32, #tpu.memory_space<hbm>>
    %dma_start3A_259 = arith.constant 0 : i32
    %dma_start3A_260 = arith.constant 0 : i32
    %dma_start3A_261 = tpu.memref_slice %arg6[%dma_start3A_250, %dma_start3A_259, %dma_start3A_260] : memref<3x512x64xf32, #tpu.memory_space<vmem>> -> memref<1x512x64xf32, #tpu.memory_space<vmem>>
    %dma_start3A_262 = tpu.memref_squeeze %dma_start3A_261 : memref<1x512x64xf32, #tpu.memory_space<vmem>> -> memref<512x64xf32, #tpu.memory_space<vmem>>
    tpu.enqueue_dma source(%dma_start3A_262 : memref<512x64xf32, #tpu.memory_space<vmem>>) target(%dma_start3A_258 : memref<512x64xf32, #tpu.memory_space<hbm>>) target_semaphore(%arg8 : memref<!tpu.dma_semaphore, #tpu.memory_space<semaphore_mem>>)
    %add3A_263 = arith.constant 25088 : i32
    %add3A_264 = arith.addi %mul3A_2, %add3A_263 : i32
    %dma_wait3A_265 = arith.constant 1 : i32
    %dma_wait3A_266 = arith.constant 0 : i32
    %dma_wait3A_267 = arith.constant 0 : i32
    %dma_wait3A_268 = tpu.memref_slice %arg6[%dma_wait3A_265, %dma_wait3A_266, %dma_wait3A_267] : memref<3x512x64xf32, #tpu.memory_space<vmem>> -> memref<1x512x64xf32, #tpu.memory_space<vmem>>
    %dma_wait3A_269 = tpu.memref_squeeze %dma_wait3A_268 : memref<1x512x64xf32, #tpu.memory_space<vmem>> -> memref<512x64xf32, #tpu.memory_space<vmem>>
    %dma_wait3A_270 = arith.constant 0 : i32
    %dma_wait3A_271 = tpu.memref_slice %arg4[%add3A_264, %dma_wait3A_270] : memref<819200x64xf32, #tpu.memory_space<hbm>> -> memref<512x64xf32, #tpu.memory_space<hbm>>
    %dma_wait3A_272 = arith.constant 0 : i32
    %dma_wait3A_273 = tpu.memref_slice %arg4[%add3A_264, %dma_wait3A_272] : memref<819200x64xf32, #tpu.memory_space<hbm>> -> memref<512x64xf32, #tpu.memory_space<hbm>>
    %dma_wait3A_274 = arith.constant 0 : i32
    %dma_wait3A_275 = arith.constant 0 : i32
    %dma_wait3A_276 = tpu.memref_slice %arg6[%dma_wait3A_265, %dma_wait3A_274, %dma_wait3A_275] : memref<3x512x64xf32, #tpu.memory_space<vmem>> -> memref<1x512x64xf32, #tpu.memory_space<vmem>>
    %dma_wait3A_277 = tpu.memref_squeeze %dma_wait3A_276 : memref<1x512x64xf32, #tpu.memory_space<vmem>> -> memref<512x64xf32, #tpu.memory_space<vmem>>
    tpu.wait_dma2 semaphore(%arg8 : memref<!tpu.dma_semaphore, #tpu.memory_space<semaphore_mem>>) src(%dma_wait3A_277 : memref<512x64xf32, #tpu.memory_space<vmem>>) dst(%dma_wait3A_273 : memref<512x64xf32, #tpu.memory_space<hbm>>)
    return
  }
}

</mosaic_0001>

<sc_bundles>
// kernel: kernel.3.cloned.1.call-start
scs
__scs_entry_jumppad:
0x0: {  	(pc) =	sbr.rel $0x88, $3  }
0x1: {  	(tag) =	ssettag $0x0;
	lr =	simm.s32 $0x1  }
0x2: {  	[smem:$0x3F9F] =	sst lr;
	_ =	strace $0xD0000000  }
0x3: {  	_ = 	snop  }
0x4: {  	_ = 	snop  }
0x5: {  	_ = 	snop  }
0x6: {  	_ = 	snop  }
0x7: {  	_ = 	snop  }
__scs_overlays_trampoline_lowered:
0x8: {  	[smem:$0x3FAE] =	sst s0  }
0x9: {  	[smem:$0x3FAF] =	sst s1  }
0xa: {  	[smem:$0x3FB0] =	sst s2  }
0xb: {  	[smem:$0x3FB1] =	sst s3  }
0xc: {  	[smem:$0x3FB2] =	sst s4  }
0xd: {  	[smem:$0x3FB3] =	sst s5  }
0xe: {  	[smem:$0x3FB4] =	sst s6  }
0xf: {  	[smem:$0x3FB5] =	sst s7  }
0x10: {  	[smem:$0x3FB6] =	sst s8  }
0x11: {  	[smem:$0x3FB7] =	sst s9;
	s0 =	simm.s32 @!p0 $0x0  }
0x12: {  	s1 =	sld [smem:$0x3F9D];
	s0 =	simm.s32 @p0 $0x1  }
0x13: {  	[smem:$0x3FB8] =	sst s0;
	s0 =	simm.s32 @!p1 $0x0  }
0x14: {  	s2 =	sld [smem:$0x3F9C];
	s0 =	simm.s32 @p1 $0x1  }
0x15: {  	[smem:$0x3FB9] =	sst s0;
	s0 =	simm.s32 @!p2 $0x0  }
0x16: {  	s3 =	sld [smem:$0x3FDB];
	s0 =	simm.s32 @p2 $0x1  }
0x17: {  	s4 =	simm.s32 $0x1BF5;
	[smem:$0x3FBB] =	sst s0  }
0x18: {  	s0 =	sld [smem:$0x3F9E];
	_ =	swait.ge [sflag:s4], $0x0  }
0x19: {  	s7 =	sld [smem:$0x3F9F]  }
0x1a: {  	s8 =	sadd.s32 $0xFFFFE003, lr  }
0x1b: {  	s9 =	sadd.s32 $0xFFFFFEF7, lr;
	s5 =	simm.s32 $0xFFFFFFFF;
	p2 =	slt.u32 s8, $0xFFFFF086  }
0x1c: {  	p1 =	slt.u32 s9, $0xF7A;
	s5 =	simm.s32 @!p2 $0x0  }
0x1d: {  	s5 =	simm.s32 @p1 $0x1;
	p0 =	seq.s32 s7, s2  }
0x1e: {  	s7 =	smul.u32 @!p0 $0xF7A, s2;
	p2 =	seq.s32 @!p0 s5, $0x0  }
0x1f: {  	s9 =	smul.u32 $0xF7A, s1;
	s8 =	simm.s32 @!p0 $0x1BF5;
	p2 =	por !p2, p0  }
0x20: {  	[sflag:s8] =	ssyncset.s32 @!p0 $0xFFFFF086;
	s6 =	sadd.s32 @!p0 s3, s7;
	s7 =	simm.s32 @!p0 $0x108  }
0x21: {  	s3 =	sadd.s32 s3, s9;
	s6 =	sadd.s32 @!p0 $0x88, s6;
	s7 =	simm.s32 @p2 $0x1082  }
0x22: {  	[simem:s7], [sflag:s8] =	dma.local @!p0 [hbm:s6], $0xF7A  }
0x23: {  	s9 =	sor.u32 $0xD0000000, s2;
	s6 =	simm.s32 $0x108;
	_ =	swait.ge @!p0 [sflag:s8], $0x0  }
0x24: {  	s3 =	sadd.s32 $0x88, s3;
	s6 =	simm.s32 @!p1 $0x1082;
	[sflag:s4] =	ssyncset.s32 $0xFFFFF086  }
0x25: {  	[simem:s6], [sflag:s4] =	dma.local [hbm:s3], $0xF7A  }
0x26: {  	[smem:$0x3F9F] =	sst s1;
	(tag) =	ssettag s2;
	_ =	strace s9  }
0x27: {  	s1 =	sld [smem:$0x3FAF]  }
0x28: {  	s2 =	sld [smem:$0x3FB0]  }
0x29: {  	s4 =	sld [smem:$0x3FB2]  }
0x2a: {  	p0 =	seq.s32 s5, $0x0;
	s5 =	sld [smem:$0x3FB3]  }
0x2b: {  	s6 =	sld [smem:$0x3FB4]  }
0x2c: {  	s7 =	sld [smem:$0x3FB5]  }
0x2d: {  	s3 =	simm.s32 $0x108;
	s8 =	sld [smem:$0x3FB6]  }
0x2e: {  	s3 =	simm.s32 @!p0 $0x1082;
	s9 =	sld [smem:$0x3FB7]  }
0x2f: {  	lr =	sadd.s32 s0, s3;
	s0 =	sld [smem:$0x3FAE]  }
0x30: {  	s3 =	sld [smem:$0x3FB1]  }
0x31: {  	[smem:$0x3FBA] =	sst s10  }
0x32: {  	s10 =	sld [smem:$0x3FB8];
	_ =	sdelay $0x3  }
0x33: {  	p0 =	seq.s32 s10, $0x1;
	s10 =	sld [smem:$0x3FBA];
	_ =	sdelay $0x3  }
0x34: {  	[smem:$0x3FBA] =	sst s10  }
0x35: {  	s10 =	sld [smem:$0x3FB9];
	_ =	sdelay $0x3  }
0x36: {  	p1 =	seq.s32 s10, $0x1;
	s10 =	sld [smem:$0x3FBA];
	_ =	sdelay $0x3  }
0x37: {  	[smem:$0x3FBA] =	sst s10  }
0x38: {  	s10 =	sld [smem:$0x3FBB]  }
0x39: {  	_ = 	snop;
	(pc) =	sbr.ind lr, $3  }
0x3a: {  	_ = 	snop  }
0x3b: {  	_ = 	snop  }
0x3c: {  	p2 =	seq.s32 s10, $0x1;
	s10 =	sld [smem:$0x3FBA]  }
0x3d: {  	_ =	shalt  }
0x3e: {  	_ =	shalt  }
0x3f: {  	_ =	shalt  }
0x40: {  	_ =	shalt  }
0x41: {  	_ =	shalt  }
0x42: {  	_ =	shalt  }
0x43: {  	_ =	shalt  }
0x44: {  	_ =	shalt  }
0x45: {  	_ =	shalt  }
0x46: {  	_ =	shalt  }
0x47: {  	_ =	shalt  }
0x48: {  	_ =	shalt  }
0x49: {  	_ =	shalt  }
0x4a: {  	_ =	shalt  }
0x4b: {  	_ =	shalt  }
0x4c: {  	_ =	shalt  }
0x4d: {  	_ =	shalt  }
0x4e: {  	_ =	shalt  }
0x4f: {  	_ =	shalt  }
0x50: {  	_ =	shalt  }
0x51: {  	_ =	shalt  }
0x52: {  	_ =	shalt  }
0x53: {  	_ =	shalt  }
0x54: {  	_ =	shalt  }
0x55: {  	_ =	shalt  }
0x56: {  	_ =	shalt  }
0x57: {  	_ =	shalt  }
0x58: {  	_ =	shalt  }
0x59: {  	_ =	shalt  }
0x5a: {  	_ =	shalt  }
0x5b: {  	_ =	shalt  }
0x5c: {  	_ =	shalt  }
0x5d: {  	_ =	shalt  }
0x5e: {  	_ =	shalt  }
0x5f: {  	_ =	shalt  }
0x60: {  	_ =	shalt  }
0x61: {  	_ =	shalt  }
0x62: {  	_ =	shalt  }
0x63: {  	_ =	shalt  }
0x64: {  	_ =	shalt  }
0x65: {  	_ =	shalt  }
0x66: {  	_ =	shalt  }
0x67: {  	_ =	shalt  }
0x68: {  	_ =	shalt  }
0x69: {  	_ =	shalt  }
0x6a: {  	_ =	shalt  }
0x6b: {  	_ =	shalt  }
0x6c: {  	_ =	shalt  }
0x6d: {  	_ =	shalt  }
0x6e: {  	_ =	shalt  }
0x6f: {  	_ =	shalt  }
0x70: {  	_ =	shalt  }
0x71: {  	_ =	shalt  }
0x72: {  	_ =	shalt  }
0x73: {  	_ =	shalt  }
0x74: {  	_ =	shalt  }
0x75: {  	_ =	shalt  }
0x76: {  	_ =	shalt  }
0x77: {  	_ =	shalt  }
0x78: {  	_ =	shalt  }
0x79: {  	_ =	shalt  }
0x7a: {  	_ =	shalt  }
0x7b: {  	_ =	shalt  }
0x7c: {  	_ =	shalt  }
0x7d: {  	_ =	shalt  }
0x7e: {  	_ =	shalt  }
0x7f: {  	_ =	shalt  }
0x80: {  	_ =	shalt  }
0x81: {  	_ =	shalt  }
0x82: {  	_ =	shalt  }
0x83: {  	_ =	shalt  }
0x84: {  	_ =	shalt  }
0x85: {  	_ =	shalt  }
0x86: {  	_ =	shalt  }
0x87: {  	_ =	shalt  }
.Lfunc_end0:
.L_simem_size_0:
called_computation.1_lowered:
.L_overlay_start_0:
0x88: {  	s2 =	sld [smem:$0x3FD9]  }
0x89: {  	s3 =	sld [smem:$0x3FFE];
	_ =	sdelay $0x1  }
0x8a: {  	s1 =	srdreg.scid  }
0x8b: {  	s0 =	sand.u32 $0x1, s1  }
0x8c: {  	s17 =	sshll.u32 s0, $0xA;
	s2 =	sadd.s32 s3, s2  }
0x8d: {  	s2 =	sadd.s32 s2, s17  }
0x8e: {  	[smem:$0x3FC6] =	sst s2  }
0x8f: {  	_ = 	snop  }
0x90: {  	s2 =	sld [smem:$0x3FD0];
	(tm) =	ssettm $0x1  }
0x91: {  	s18 =	sld [smem:$0x3FFB];
	_ =	sdelay $0x3  }
0x92: {  	_ =	strace s18  }
0x93: {  	s3 =	sld [smem:$0x3FFC];
	_ =	sdelay $0x3  }
0x94: {  	_ =	strace s3  }
0x95: {  	s3 =	sld [smem:$0x3FFD];
	_ =	sdelay $0x3  }
0x96: {  	_ =	strace s3  }
0x97: {  	_ =	strace $0x8FFFFFFF  }
0x98: {  	s19 =	sld [smem:$0x3FDB];
	_ =	sdelay $0x1  }
0x99: {  	s4 =	simm.s32 $_scs_section_size  }
0x9a: {  	s5 =	simm.s32 $_size__tile_overlayer_lowered;
	s6 =	simm.s32 $_tile_overlayer_lowered  }
0x9b: {  	s22 =	simm.s32 $0x1BFF;
	s21 =	sshll.u32 s6, $0x1;
	s3 =	sadd.s32 s4, s19  }
0x9c: {  	s7 =	simm.s32 $0x0;
	s20 =	sshll.u32 s5, $0x1;
	s5 =	sadd.s32 s21, s3  }
0x9d: {  	[timem:s7], [sflag:s22] =	dma.local [hbm:s5], s20  }
0x9e: {  	_ =	swait.ge [sflag:s22], s20  }
0x9f: {  	s4 =	ssub.s32 $0x0, s20;
	[sflag:s22] =	ssyncset.done $0x0  }
0xa0: {  	[sflag:s22] =	ssyncadd.s32 s4;
	_ =	sdelay $0x1  }
0xa1: {  	s23 =	simm.s32 $0x1B8B  }
0xa2: {  	_ =	swait.ge [sflag:s23], $0x1  }
0xa3: {  	[sflag:s23] =	ssyncset.done $0x0  }
0xa4: {  	s25 =	simm.s32 $0x1B8E;
	s24 =	sld [smem:$0x3FFE];
	[sflag:s23] =	ssyncadd.s32 $0xFFFFFFFF  }
0xa5: {  	s26 =	simm.s32 $execute0_lowered;
	[smem:$0x3FD2] =	sst s25  }
0xa6: {  	s5 =	sshll.u32 s26, $0x1;
	_ =	strace $0x80000046;
	[dreg:$0x1] =	wrdreg $0xFFFFFFFF  }
0xa7: {  	s28 =	simm.s32 $_size_execute0_lowered;
	s3 =	sadd.s32 s3, s5;
	[dreg:$0x0] =	wrdreg $0x0  }
0xa8: {  	s5 =	sshll.u32 s28, $0x1;
	[dreg:$0x2] =	wrdreg s3  }
0xa9: {  	[dreg:$0x3] =	wrdreg s5  }
0xaa: {  	[dreg:$0x4] =	wrdreg $0xC0  }
0xab: {  	_ =	task [dreg:s7], $0x5FFFF  }
0xac: {  	[dreg:$0x1] =	wrdreg $0xFFFFFFFF  }
0xad: {  	[dreg:$0x0] =	wrdreg $0x60  }
0xae: {  	[dreg:$0x2] =	wrdreg s24  }
0xaf: {  	[dreg:$0x3] =	wrdreg s2  }
0xb0: {  	[dreg:$0x4] =	wrdreg $0x9  }
0xb1: {  	_ =	task.clear_ibuf [dreg:s7], $0x5FFFF;
	_ =	strace $0x90000046  }
0xb2: {  	s29 =	simm.s32 $0x9;
	_ =	strace $0x80000048  }
0xb3: {  	_ =	swait.ge [sflag:s29], $0x1  }
0xb4: {  	[sflag:s29] =	ssyncadd.s32 $0xFFFFFFFF  }
0xb5: {  	_ =	strace $0x90000048  }
0xb6: {  	_ =	sfence  }
0xb7: {  	s30 =	sld [smem:$0x0];
	_ =	sdelay $0x2  }
0xb8: {  	s31 =	sshll.u32 s1, $0xD;
	s1 =	sshrl.u32 s1, $0x2  }
0xb9: {  	s3 =	sand.u32 $0x4000, s31;
	s1 =	sadd.s32 s1, s30  }
0xba: {  	s0 =	sor.u32 s3, s0;
	s1 =	sshll.u32 s1, $0x11  }
0xbb: {  	s0 =	sor.u32 s1, s0  }
0xbc: {  	s0 =	sadd.s32 $0x8F2B, s0  }
0xbd: {  	[sflag:s0] =	ssyncadd.remote.s32 $0x1  }
0xbe: {  	_ =	sfence.sel $0xFFFF  }
0xbf: {  	[dreg:$0x0] =	wrdreg $0xFFFFFFFF;
	(pc) =	sbr.abs _section_cstart, $3  }
0xc0: {  	[dreg:$0x1] =	wrdreg $0xFFFFFFFF  }
0xc1: {  	_ =	task.clear_ibuf [dreg:s7], $0x2FFFF;
	_ =	strace $0x9FFFFFFF  }
0xc2: {  	(tm) =	ssettm $0x7FFFFFFF  }
0xc3: {  	_ =	shalt  }
tec
execute0_lowered:
.L_overlay_start_1:
0x0: {  	(tag) =	ssettag $0x1  }
0x1: {  	s1 =	srdreg.scid;
	s3 =	rddreg [dreg:$0x0]  }
0x2: {  	s0 =	stileid.u32;
	s10 =	rddreg [dreg:$0x1]  }
0x3: {  	s2 =	simm.s32 $0x0;
	s14 =	simm.s32 $0x3;
	s15 =	simm.s32 $0x200  }
0x4: {  	s16 =	simm.s32 $0x6400;
	s17 =	simm.s32 $0xE400;
	s18 =	simm.s32 $0x1  }
0x5: {  	s19 =	simm.s32 $0x400;
	s20 =	simm.s32 $0x16400;
	s21 =	simm.s32 $0x2  }
0x6: {  	s4 =	sand.u32 $0x1, s1;
	s28 =	sshll.u32 s0, $0x1;
	s9 =	smul.u32 $0xC800, s0  }
0x7: {  	s22 =	simm.s32 $0x6000;
	s5 =	sor.u32 s4, s28;
	s12 =	smul.u32 $0x6400, s4  }
0x8: {  	s23 =	simm.s32 $0x6200;
	s24 =	simm.s32 $0x0;
	s6 =	smul.u32 $0xC80, s5  }
0x9: {  	[smem:$0x7FF] =	sst s2;
	s8 =	ssub.s32 $0x2, s4;
	s7 =	smul.u32 $0x32000, s5  }
0xa: {  	_ =	strace $0x80000047;
	s5 =	smul.u32 $0x190000, s5;
	s11 =	sshrl.u32 s8, $0x1  }
0xb: {  	s11 =	ssub.s32 s8, s11;
	s30 =	sadd.s32 s12, s9;
	s6 =	sadd.s32 s6, s3  }
0xc: {  	s3 =	sadd.s32 $0xF42E00, s3;
	s29 =	sshrl.u32 s5, $0x3;
	s5 =	sadd.s32 s10, s7  }
0xd: {  	s12 =	sshll.u32 s30, $0x3;
	s4 =	sadd.s32 $0xA00, s6;
	s13 =	sadd.s32 s10, s29  }
0xe: {  	s31 =	sadd.s32 s10, s12;
	s10 =	smax.u32 s11, $0x1;
	s6 =	sadd.s32 $0x2E000, s13  }
0xf: {  	s7 =	sadd.s32 $0x2F000, s13;
	s8 =	sadd.s32 $0x30000, s13;
	s9 =	sadd.s32 $0x31000, s13  }
0x10: {  	s11 =	sadd.s32 $0x2000, s31;
	s12 =	sadd.s32 $0x1000, s31;
	s13 =	sadd.s32 $0x3000, s31  }
.LBB2_1:
0x11: {  	[tilespmem:s2], [sflag:$0x3] =	stream.linear.gather [hbm4b:s4+s2], $0x6400, $0x38;
	[tilespmem:$0x1E400] =	vst v63  }
0x12: {  	_ =	swait.ge [sflag:s14], $0x6400  }
0x13: {  	[sflag:s14] =	ssyncset.done $0x0  }
0x14: {  	[sflag:s14] =	ssyncadd.s32 $0xFFFF9C00  }
0x15: {  	[tilespmem:s16], [sflag:$0x1] =	stream.indirect.gather [hbm4b:s3+s15], $0x40, s2, s15, $0xb8;
	[tilespmem:$0x1E400] =	vst v63  }
0x16: {  	_ = 	snop  }
0x17: {  	[tilespmem:s17], [sflag:$0x1] =	stream.indirect.gather [hbm4b:s3+s15], $0x40, s15, s15, $0xb8;
	[tilespmem:$0x1E400] =	vst v63  }
0x18: {  	_ =	swait.ge [sflag:s18], $0x8000  }
0x19: {  	[sflag:s18] =	ssyncset.done $0x0  }
0x1a: {  	[sflag:s18] =	ssyncadd.s32 $0xFFFF8000  }
0x1b: {  	[tilespmem:s20], [sflag:$0x1] =	stream.indirect.gather [hbm4b:s3+s15], $0x40, s19, s15, $0xb8;
	[tilespmem:$0x1E400] =	vst v63  }
0x1c: {  	_ = 	snop  }
0x1d: {  	[hbm4b:s5+s2] =	stream.linear.scatter [tilespmem:s16], [sflag:$0x2], $0x8000, $0x38;
	[tilespmem:$0x1E400] =	vst v63  }
0x1e: {  	_ =	swait.ge [sflag:s18], $0x8000  }
0x1f: {  	[sflag:s18] =	ssyncset.done $0x0  }
0x20: {  	[sflag:s18] =	ssyncadd.s32 $0xFFFF8000  }
0x21: {  	_ =	swait.ge [sflag:s21], $0x8000  }
0x22: {  	[sflag:s21] =	ssyncset.done $0x0  }
0x23: {  	s25 =	simm.s32 $0x600;
	[sflag:s21] =	ssyncadd.s32 $0xFFFF8000  }
0x24: {  	[tilespmem:s16], [sflag:$0x1] =	stream.indirect.gather [hbm4b:s3+s15], $0x40, s25, s15, $0xb8;
	[tilespmem:$0x1E400] =	vst v63  }
0x25: {  	_ = 	snop  }
0x26: {  	[hbm4b:s12+s2] =	stream.linear.scatter [tilespmem:s17], [sflag:$0x2], $0x8000, $0x38;
	[tilespmem:$0x1E400] =	vst v63  }
0x27: {  	_ =	swait.ge [sflag:s18], $0x8000  }
0x28: {  	[sflag:s18] =	ssyncset.done $0x0  }
0x29: {  	[sflag:s18] =	ssyncadd.s32 $0xFFFF8000  }
0x2a: {  	_ =	swait.ge [sflag:s21], $0x8000  }
0x2b: {  	[sflag:s21] =	ssyncset.done $0x0  }
0x2c: {  	s26 =	simm.s32 $0x800;
	[sflag:s21] =	ssyncadd.s32 $0xFFFF8000  }
0x2d: {  	[tilespmem:s17], [sflag:$0x1] =	stream.indirect.gather [hbm4b:s3+s15], $0x40, s26, s15, $0xb8;
	[tilespmem:$0x1E400] =	vst v63  }
0x2e: {  	_ = 	snop  }
0x2f: {  	[hbm4b:s11+s2] =	stream.linear.scatter [tilespmem:s20], [sflag:$0x2], $0x8000, $0x38;
	[tilespmem:$0x1E400] =	vst v63  }
0x30: {  	_ =	swait.ge [sflag:s18], $0x8000  }
0x31: {  	[sflag:s18] =	ssyncset.done $0x0  }
0x32: {  	[sflag:s18] =	ssyncadd.s32 $0xFFFF8000  }
0x33: {  	s31 =	simm.s32 $0xA00;
	s28 =	sadd.s32 $0x3000, s12;
	_ =	swait.ge [sflag:s21], $0x8000  }
0x34: {  	s29 =	sadd.s32 $0x3000, s13;
	s30 =	smov.u32 s13;
	[sflag:s21] =	ssyncset.done $0x0  }
0x35: {  	s25 =	simm.s32 $0x1800;
	s26 =	sadd.s32 $0x3000, s11;
	[sflag:s21] =	ssyncadd.s32 $0xFFFF8000  }
0x36: {  	[tilespmem:s20], [sflag:$0x1] =	stream.indirect.gather [hbm4b:s3+s15], $0x40, s31, s15, $0xb8;
	[tilespmem:$0x1E400] =	vst v63  }
.LBB2_2:
0x37: {  	[hbm4b:s30+s2] =	stream.linear.scatter [tilespmem:s16], [sflag:$0x2], $0x8000, $0x38;
	[tilespmem:$0x1E400] =	vst v63  }
0x38: {  	s31 =	smov.u32 s25;
	s30 =	smov.u32 s29  }
0x39: {  	p0 =	sne.s32 s25, $0x15000;
	s25 =	sadd.s32 $0x1800, s25;
	_ =	swait.ge [sflag:s18], $0x8000  }
0x3a: {  	[sflag:s18] =	ssyncset.done $0x0  }
0x3b: {  	[sflag:s18] =	ssyncadd.s32 $0xFFFF8000  }
0x3c: {  	_ =	swait.ge [sflag:s21], $0x8000  }
0x3d: {  	s31 =	sshra.s32 s31, $0x2;
	[sflag:s21] =	ssyncset.done $0x0  }
0x3e: {  	s1 =	sadd.s32 $0x600, s31;
	[sflag:s21] =	ssyncadd.s32 $0xFFFF8000  }
0x3f: {  	[tilespmem:s16], [sflag:$0x1] =	stream.indirect.gather [hbm4b:s3+s15], $0x40, s1, s15, $0xb8;
	[tilespmem:$0x1E400] =	vst v63  }
0x40: {  	_ = 	snop  }
0x41: {  	[hbm4b:s28+s2] =	stream.linear.scatter [tilespmem:s17], [sflag:$0x2], $0x8000, $0x38;
	[tilespmem:$0x1E400] =	vst v63  }
0x42: {  	_ =	swait.ge [sflag:s18], $0x8000  }
0x43: {  	[sflag:s18] =	ssyncset.done $0x0  }
0x44: {  	[sflag:s18] =	ssyncadd.s32 $0xFFFF8000  }
0x45: {  	_ =	swait.ge [sflag:s21], $0x8000  }
0x46: {  	[sflag:s21] =	ssyncset.done $0x0  }
0x47: {  	s1 =	sadd.s32 $0x800, s31;
	[sflag:s21] =	ssyncadd.s32 $0xFFFF8000  }
0x48: {  	[tilespmem:s17], [sflag:$0x1] =	stream.indirect.gather [hbm4b:s3+s15], $0x40, s1, s15, $0xb8;
	[tilespmem:$0x1E400] =	vst v63  }
0x49: {  	_ = 	snop  }
0x4a: {  	[hbm4b:s26+s2] =	stream.linear.scatter [tilespmem:s20], [sflag:$0x2], $0x8000, $0x38;
	[tilespmem:$0x1E400] =	vst v63  }
0x4b: {  	_ =	swait.ge [sflag:s18], $0x8000  }
0x4c: {  	[sflag:s18] =	ssyncset.done $0x0  }
0x4d: {  	[sflag:s18] =	ssyncadd.s32 $0xFFFF8000  }
.Ltmp0:
0x4e: {  	_ =	swait.ge [sflag:s21], $0x8000;
	(pc) =	sbr.rel @p0 .LBB2_2-.Ltmp0, $4  }
0x4f: {  	[sflag:s21] =	ssyncset.done $0x0  }
0x50: {  	s1 =	sadd.s32 $0xA00, s31;
	[sflag:s21] =	ssyncadd.s32 $0xFFFF8000  }
0x51: {  	[tilespmem:s20], [sflag:$0x1] =	stream.indirect.gather [hbm4b:s3+s15], $0x40, s1, s15, $0xb8;
	[tilespmem:$0x1E400] =	vst v63  }
0x52: {  	s29 =	sadd.s32 $0x3000, s29;
	s28 =	sadd.s32 $0x3000, s28;
	s26 =	sadd.s32 $0x3000, s26  }
0x53: {  	[hbm4b:s30+s2] =	stream.linear.scatter [tilespmem:s16], [sflag:$0x2], $0x8000, $0x38;
	[tilespmem:$0x1E400] =	vst v63  }
0x54: {  	_ =	swait.ge [sflag:s18], $0x8000  }
0x55: {  	[sflag:s18] =	ssyncset.done $0x0  }
0x56: {  	[sflag:s18] =	ssyncadd.s32 $0xFFFF8000  }
0x57: {  	_ =	swait.ge [sflag:s21], $0x8000  }
0x58: {  	[sflag:s21] =	ssyncset.done $0x0  }
0x59: {  	[sflag:s21] =	ssyncadd.s32 $0xFFFF8000  }
0x5a: {  	[tilespmem:s16], [sflag:$0x1] =	stream.indirect.gather [hbm4b:s3+s15], $0x40, s22, s15, $0xb8;
	[tilespmem:$0x1E400] =	vst v63  }
0x5b: {  	_ = 	snop  }
0x5c: {  	[hbm4b:s6+s2] =	stream.linear.scatter [tilespmem:s17], [sflag:$0x2], $0x8000, $0x38;
	[tilespmem:$0x1E400] =	vst v63  }
0x5d: {  	_ =	swait.ge [sflag:s18], $0x8000  }
0x5e: {  	[sflag:s18] =	ssyncset.done $0x0  }
0x5f: {  	[sflag:s18] =	ssyncadd.s32 $0xFFFF8000  }
0x60: {  	_ =	swait.ge [sflag:s21], $0x8000  }
0x61: {  	[sflag:s21] =	ssyncset.done $0x0  }
0x62: {  	[sflag:s21] =	ssyncadd.s32 $0xFFFF8000  }
0x63: {  	[tilespmem:s17], [sflag:$0x1] =	stream.indirect.gather [hbm4b:s3+s15], $0x40, s23, s15, $0xb8;
	[tilespmem:$0x1E400] =	vst v63  }
0x64: {  	_ = 	snop  }
0x65: {  	[hbm4b:s7+s2] =	stream.linear.scatter [tilespmem:s20], [sflag:$0x2], $0x8000, $0x38;
	[tilespmem:$0x1E400] =	vst v63  }
0x66: {  	_ =	swait.ge [sflag:s18], $0x8000  }
0x67: {  	[sflag:s18] =	ssyncset.done $0x0  }
0x68: {  	[sflag:s18] =	ssyncadd.s32 $0xFFFF8000  }
0x69: {  	_ =	swait.ge [sflag:s21], $0x8000  }
0x6a: {  	[sflag:s21] =	ssyncset.done $0x0  }
0x6b: {  	[sflag:s21] =	ssyncadd.s32 $0xFFFF8000  }
0x6c: {  	[hbm4b:s8+s2] =	stream.linear.scatter [tilespmem:s16], [sflag:$0x2], $0x8000, $0x38;
	[tilespmem:$0x1E400] =	vst v63  }
0x6d: {  	_ =	swait.ge [sflag:s18], $0x8000  }
0x6e: {  	[sflag:s18] =	ssyncset.done $0x0  }
0x6f: {  	[sflag:s18] =	ssyncadd.s32 $0xFFFF8000  }
0x70: {  	s24 =	sadd.s32 $0x1, s24;
	_ =	swait.ge [sflag:s21], $0x8000  }
0x71: {  	p0 =	sne.s32 s24, s10;
	[sflag:s21] =	ssyncset.done $0x0  }
.Ltmp1:
0x72: {  	[sflag:s21] =	ssyncadd.s32 $0xFFFF8000;
	(pc) =	sbr.rel @p0 .LBB2_1-.Ltmp1, $4  }
0x73: {  	[hbm4b:s9+s2] =	stream.linear.scatter [tilespmem:s17], [sflag:$0x2], $0x8000, $0x38;
	[tilespmem:$0x1E400] =	vst v63  }
0x74: {  	_ =	swait.ge [sflag:s21], $0x8000  }
0x75: {  	[sflag:s21] =	ssyncset.done $0x0  }
0x76: {  	[sflag:s21] =	ssyncadd.s32 $0xFFFF8000  }
0x77: {  	_ =	sfence.sel $0x180000  }
0x78: {  	[bflag:$0x0] =	sbarrier.arrive $0xFFFF  }
0x79: {  	_ =	strace $0x90000047  }
0x7a: {  	[bflag:$0x2] =	sbarrier.arrive $0xFFFF  }
0x7b: {  	p0 =	sne.s32 s0, $0x0;
	s0 =	rddreg [dreg:$0x2]  }
0x7c: {  	s0 =	sadd.s32 @!p0 $0x100000, s0  }
0x7d: {  	[sflag:s0] =	ssyncadd.tile.s32 @!p0 $0x1;
	_ =	shalt  }
.Lfunc_end2:
_tile_overlayer_lowered:
.L_overlay_start_2:
0x7e: {  	(tag) =	ssettag $0x2  }
0x7f: {  	s0 =	rddreg [dreg:$0x0];
	s2 =	stileid.u32  }
0x80: {  	s1 =	rddreg [dreg:$0x1];
	p0 =	sne.s32 s2, $0x0  }
0x81: {  	s3 =	rddreg [dreg:$0x2];
	[bflag:$0x3] =	sbarrier.arrive $0xFFFF;
	s2 =	simm.s32 @!p0 $0x1C03  }
0x82: {  	[timem:s3], [sflag:s2] =	dma.local @!p0 [hbm:s0], s1  }
0x83: {  	s0 =	simm.s32 @!p0 $0x3  }
0x84: {  	_ =	swait.ge @!p0 [sflag:s0], s1  }
0x85: {  	s1 =	ssub.s32 @!p0 $0x0, s1;
	[sflag:s0] =	ssyncset.done @!p0 $0x0  }
0x86: {  	[sflag:s0] =	ssyncadd.s32 @!p0 s1  }
0x87: {  	[bflag:$0x3] =	sbarrier.arrive $0xFFFF  }
0x88: {  	_ =	shalt  }

// kernel: sparse-core-data-format-call.cloned.1.call-start
scs
called_computation_lowered:
.L_overlay_start_0:
0x0: {  	s2 =	sld [smem:$0x3FD9]  }
0x1: {  	s3 =	sld [smem:$0x3FFE];
	_ =	sdelay $0x1  }
0x2: {  	s1 =	srdreg.scid  }
0x3: {  	s0 =	sand.u32 $0x1, s1  }
0x4: {  	s18 =	sshll.u32 s0, $0xA;
	s2 =	sadd.s32 s3, s2  }
0x5: {  	s2 =	sadd.s32 s2, s18  }
0x6: {  	[smem:$0x3FC6] =	sst s2  }
0x7: {  	_ = 	snop  }
0x8: {  	s2 =	sld [smem:$0x3FD0];
	(tm) =	ssettm $0x1  }
0x9: {  	s19 =	sld [smem:$0x3FFB];
	_ =	sdelay $0x3  }
0xa: {  	_ =	strace s19  }
0xb: {  	s3 =	sld [smem:$0x3FFC];
	_ =	sdelay $0x3  }
0xc: {  	_ =	strace s3  }
0xd: {  	s3 =	sld [smem:$0x3FFD];
	_ =	sdelay $0x3  }
0xe: {  	_ =	strace s3  }
0xf: {  	_ =	strace $0x8FFFFFFF  }
0x10: {  	s20 =	sld [smem:$0x3FDB];
	_ =	sdelay $0x1  }
0x11: {  	s4 =	simm.s32 $_scs_section_size  }
0x12: {  	s5 =	simm.s32 $_size__tile_overlayer_lowered;
	s6 =	simm.s32 $_tile_overlayer_lowered  }
0x13: {  	s23 =	simm.s32 $0x1BFF;
	s22 =	sshll.u32 s6, $0x1;
	s3 =	sadd.s32 s4, s20  }
0x14: {  	s7 =	simm.s32 $0x0;
	s21 =	sshll.u32 s5, $0x1;
	s5 =	sadd.s32 s22, s3  }
0x15: {  	[timem:s7], [sflag:s23] =	dma.local [hbm:s5], s21  }
0x16: {  	_ =	swait.ge [sflag:s23], s21  }
0x17: {  	s4 =	ssub.s32 $0x0, s21;
	[sflag:s23] =	ssyncset.done $0x0  }
0x18: {  	[sflag:s23] =	ssyncadd.s32 s4;
	_ =	sdelay $0x1  }
0x19: {  	s24 =	simm.s32 $0x1B8B  }
0x1a: {  	_ =	swait.ge [sflag:s24], $0x1  }
0x1b: {  	[sflag:s24] =	ssyncset.done $0x0  }
0x1c: {  	s26 =	simm.s32 $0x1B8E;
	s25 =	sld [smem:$0x3FFE];
	[sflag:s24] =	ssyncadd.s32 $0xFFFFFFFF  }
0x1d: {  	s27 =	simm.s32 $execute0_lowered;
	[smem:$0x3FD2] =	sst s26  }
0x1e: {  	s5 =	sshll.u32 s27, $0x1;
	_ =	strace $0x80000049;
	[dreg:$0x1] =	wrdreg $0xFFFFFFFF  }
0x1f: {  	s28 =	simm.s32 $_size_execute0_lowered;
	s3 =	sadd.s32 s3, s5;
	[dreg:$0x0] =	wrdreg $0x0  }
0x20: {  	s5 =	sshll.u32 s28, $0x1;
	[dreg:$0x2] =	wrdreg s3  }
0x21: {  	[dreg:$0x3] =	wrdreg s5  }
0x22: {  	[dreg:$0x4] =	wrdreg $0xC0  }
0x23: {  	_ =	task [dreg:s7], $0x5FFFF  }
0x24: {  	[dreg:$0x1] =	wrdreg $0xFFFFFFFF  }
0x25: {  	[dreg:$0x0] =	wrdreg $0x60  }
0x26: {  	[dreg:$0x2] =	wrdreg s25  }
0x27: {  	[dreg:$0x3] =	wrdreg s2  }
0x28: {  	[dreg:$0x4] =	wrdreg $0x9  }
0x29: {  	_ =	task.clear_ibuf [dreg:s7], $0x5FFFF;
	_ =	strace $0x90000049  }
0x2a: {  	s29 =	simm.s32 $0x9;
	_ =	strace $0x8000004B  }
0x2b: {  	_ =	swait.ge [sflag:s29], $0x1  }
0x2c: {  	[sflag:s29] =	ssyncadd.s32 $0xFFFFFFFF  }
0x2d: {  	_ =	strace $0x9000004B  }
0x2e: {  	_ =	sfence  }
0x2f: {  	s30 =	sld [smem:$0x0];
	_ =	sdelay $0x2  }
0x30: {  	s31 =	sshll.u32 s1, $0xD;
	s1 =	sshrl.u32 s1, $0x2  }
0x31: {  	s3 =	sand.u32 $0x4000, s31;
	s1 =	sadd.s32 s1, s30  }
0x32: {  	s0 =	sor.u32 s3, s0;
	s1 =	sshll.u32 s1, $0x11  }
0x33: {  	s0 =	sor.u32 s1, s0  }
0x34: {  	s0 =	sadd.s32 $0x8F2B, s0  }
0x35: {  	[sflag:s0] =	ssyncadd.remote.s32 $0x1  }
0x36: {  	_ =	sfence.sel $0xFFFF  }
0x37: {  	[dreg:$0x0] =	wrdreg $0xFFFFFFFF;
	(pc) =	sbr.abs _section_cstart, $3  }
0x38: {  	[dreg:$0x1] =	wrdreg $0xFFFFFFFF  }
0x39: {  	_ =	task.clear_ibuf [dreg:s7], $0x2FFFF;
	_ =	strace $0x9FFFFFFF  }
0x3a: {  	(tm) =	ssettm $0x7FFFFFFF  }
0x3b: {  	_ =	shalt  }
tec
execute0_lowered:
.L_overlay_start_1:
0x0: {  	(tag) =	ssettag $0x1  }
0x1: {  	s0 =	srdreg.scid  }
0x2: {  	s1 =	sshll.u32 s0, $0x4  }
0x3: {  	s0 =	stileid.u32;
	s1 =	sand.u32 $0x10, s1  }
0x4: {  	s1 =	sor.u32 s0, s1  }
0x5: {  	s6 =	rddreg [dreg:$0x0];
	s4 =	simm.s32 $0x1;
	s2 =	sshll.u32 s1, $0x7  }
0x6: {  	s7 =	simm.s32 $0x2;
	s12 =	simm.s32 $0x0;
	s1 =	ssub.s32 $0x1000, s2  }
0x7: {  	s8 =	simm.s32 $0x8000;
	s13 =	simm.s32 $0x0;
	s3 =	sand.u32 $0xF80, s1  }
0x8: {  	s9 =	simm.s32 $0x0;
	s5 =	sshrl.u32 s1, $0xC;
	p0 =	sne.s32 s3, $0x0  }
.Ltmp0:
0x9: {  	s1 =	rddreg [dreg:$0x2];
	s4 =	simm.s32 @!p0 $0x0;
	(pc) =	sbr.rel .LBB1_1-.Ltmp0, $4  }
0xa: {  	s11 =	simm.s32 $0x0;
	s3 =	rddreg [dreg:$0x1];
	s5 =	sadd.s32 s4, s5  }
0xb: {  	_ =	strace $0x8000004A;
	s4 =	simm.s32 $0x1;
	s5 =	smul.u32 $0xC8, s5  }
0xc: {  	s6 =	sadd.s32 $0xA00, s6;
	s10 =	smov.u32 s2;
	[sflag:s4] =	ssyncpa.u1 $0x0  }
0xd: {  	p0 =	por $0x0, $0x0;
	[sflag:s7] =	ssyncpa.u1 $0x0;
	s7 =	sor.u32 $0x1, s5  }
.LBB1_4:
0xe: {  	s16 =	sshll.u32 s13, $0x3;
	s17 =	sand.u32 $0x78, s13  }
0xf: {  	s30 =	sand.u32 $0x7E00, s13;
	s12 =	sshll.u32 s12, $0xF;
	s16 =	sand.u32 $0xC00, s16  }
0x10: {  	[tilespmem:s15+$0x810 ss:$0x81] =	vst.msk $0xffff, v2;
	s31 =	sand.u32 $0x7, s13;
	s16 =	sor.u32 s17, s16;
	s17 =	sadd.s32 s3, s30  }
0x11: {  	[tilespmem:s15+$0x1020 ss:$0x81] =	vst.msk $0xffff, v0;
	s13 =	sshll.u32 s31, $0x12;
	s12 =	sadd.s32 s12, s17;
	s16 =	sshrl.u32 s16, $0x3  }
0x12: {  	[tilespmem:s15+$0x0 ss:$0x81] =	vst.msk $0xffff, v1;
	s13 =	sor.u32 $0x400, s13;
	s12 =	sadd.s32 s16, s12  }
0x13: {  	[hbm4b:s12+s13] =	stream.strided.scatter [tilespmem:s14], [sflag:$0x2], $0x2000, s8, s13, $0x20;
	[tilespmem:$0x8080] =	vst v63  }
.LBB1_5:
0x14: {  	s14 =	sadd.s32 $0x1, s9  }
0x15: {  	s12 =	sadd.s32 $0x1000, s10;
	s16 =	smov.u32 s10;
	p2 =	sgt.s32 s14, $0xC7  }
0x16: {  	s16 =	smov.u32 @p2 s12  }
0x17: {  	s14 =	simm.s32 @p2 $0x0;
	p2 =	sgt.s32 s16, $0xFFF  }
0x18: {  	s16 =	smov.u32 @p2 s2;
	p2 =	sne.s32 s11, s7  }
.Ltmp1:
0x19: {  	p1 =	slt.u32 s11, $0x2;
	(pc) =	sbr.rel @!p2 .LBB1_6-.Ltmp1, $4  }
0x1a: {  	s15 =	simm.s32 @!p1 $0x2  }
0x1b: {  	s13 =	smov.u32 s10;
	p0 =	por !p0, !p0;
	_ =	swait.ge @!p1 [sflag:s15], $0x2000  }
0x1c: {  	s12 =	smov.u32 s9;
	[sflag:s15] =	ssyncset.done @!p1 $0x0;
	s9 =	smov.u32 s14  }
0x1d: {  	s11 =	sadd.s32 $0x1, s11;
	[sflag:s15] =	ssyncadd.s32 @!p1 $0xFFFFE000;
	s10 =	smov.u32 s16  }
.LBB1_1:
0x1e: {  	p1 =	sge.u32 s11, s5  }
0x1f: {  	s14 =	sand.u32 @!p1 $0x1FFFFFF, s9  }
0x20: {  	s15 =	smulhi.u32 @!p1 $0x147AE15, s14;
	_ =	sdelay $0x1  }
0x21: {  	s15 =	smul.u32 @!p1 $0xC8, s15  }
0x22: {  	s16 =	sxor.u32 @!p1 $0xFFFFFFFF, s11;
	s17 =	smul.u32 @!p1 $0xC80, s10  }
0x23: {  	s31 =	sadd.s32 $0xFFFFFFFF, s11;
	s16 =	sshll.u32 @!p1 s16, $0xD;
	s14 =	ssub.s32 @!p1 s14, s15  }
0x24: {  	s15 =	sand.u32 @!p1 $0x2000, s16;
	s16 =	sadd.s32 @!p1 s6, s17;
	s14 =	sshll.u32 @!p1 s14, $0x4  }
0x25: {  	s17 =	simm.s32 @!p1 $0x6400;
	s14 =	sadd.s32 @!p1 s14, s16;
	s16 =	simm.s32 @!p1 $0x40  }
0x26: {  	[tilespmem:s15], [sflag:$0x1] =	stream.strided.gather @!p1 [hbm4b:s14+s16], $0x2000, s17, s16, $0x38;
	[tilespmem:$0x8080] =	vst v63  }
0x27: {  	p1 =	sge.u32 s31, s5  }
.Ltmp2:
0x28: {  	_ = 	snop;
	(pc) =	sbr.rel @p1 .LBB1_5-.Ltmp2, $1  }
0x29: {  	_ =	sdelay $0x3  }
0x2a: {  	s14 =	simm.s32 $0x1  }
0x2b: {  	_ =	swait.ge [sflag:s4], $0x2000;
	s14 =	simm.s32 @!p0 $0x0  }
0x2c: {  	[sflag:s4] =	ssyncset.done $0x0;
	s15 =	sshll.u32 s14, $0xD  }
0x2d: {  	[sflag:s4] =	ssyncadd.s32 $0xFFFFE000;
	s18 =	sor.u32 $0x20, s15  }
0x2e: {  	s14 =	smul.u32 $0x8100, s14;
	v3 =	vld [tilespmem:s18+$0x10]  }
0x2f: {  	s30 =	sand.u32 $0x1, s11;
	v2 =	vld [tilespmem:s18+$0xFFFFFFF0]  }
0x30: {  	s15 =	smul.u32 $0x8100, s30;
	s14 =	sshrl.u32 s14, $0x2;
	v0 =	vld [tilespmem:s18+$0x0]  }
0x31: {  	v1 =	vld [tilespmem:s18+$0xFFFFFFE0];
	s16 =	sor.u32 $0x4000, s14  }
0x32: {  	s31 =	sshrl.u32 s15, $0x2;
	s15 =	sadd.s32 $0x0, s16  }
0x33: {  	s17 =	simm.s32 $0x4;
	s18 =	sadd.s32 $0x40, s18;
	s14 =	sor.u32 $0x4000, s31;
	[tilespmem:s15+$0x1830 ss:$0x81] =	vst.msk $0xffff, v3  }
.LBB1_3:
0x34: {  	v3 =	vld [tilespmem:s18+$0x10];
	p1 =	sne.s32 s17, $0x1FC;
	[tilespmem:s15+$0x810 ss:$0x81] =	vst.msk $0xffff, v2;
	s19 =	smov.u32 s17;
	s17 =	sadd.s32 $0x4, s17  }
.Ltmp3:
0x35: {  	v2 =	vld [tilespmem:s18+$0xFFFFFFF0];
	[tilespmem:s15+$0x1020 ss:$0x81] =	vst.msk $0xffff, v0;
	(pc) =	sbr.rel @p1 .LBB1_3-.Ltmp3, $4  }
0x36: {  	v0 =	vld [tilespmem:s18+$0x0];
	[tilespmem:s15+$0x0 ss:$0x81] =	vst.msk $0xffff, v1  }
0x37: {  	s15 =	sshra.s32 s19, $0x2;
	v1 =	vld [tilespmem:s18+$0xFFFFFFE0]  }
0x38: {  	s15 =	sadd.s32 s15, s16  }
0x39: {  	s18 =	sadd.s32 $0x40, s18;
	[tilespmem:s15+$0x1830 ss:$0x81] =	vst.msk $0xffff, v3  }
.Ltmp4:
0x3a: {  	_ = 	snop;
	(pc) =	sbr.rel .LBB1_4-.Ltmp4, $1  }
0x3b: {  	_ =	sdelay $0x3  }
.LBB1_6:
0x3c: {  	_ =	sfence.sel $0x180000  }
0x3d: {  	s2 =	simm.s32 $0x1;
	[bflag:$0x0] =	sbarrier.arrive $0xFFFF  }
0x3e: {  	s31 =	simm.s32 $0x2;
	[sflag:s2] =	ssyncpa.u1 $0x1  }
0x3f: {  	[sflag:s31] =	ssyncpa.u1 $0x1  }
0x40: {  	p0 =	sne.s32 s0, $0x0;
	_ =	strace $0x9000004A  }
0x41: {  	s0 =	sadd.s32 @!p0 $0x100000, s1;
	[bflag:$0x2] =	sbarrier.arrive $0xFFFF  }
0x42: {  	[sflag:s0] =	ssyncadd.tile.s32 @!p0 $0x1;
	_ =	shalt  }
.Lfunc_end1:
_tile_overlayer_lowered:
.L_overlay_start_2:
0x43: {  	(tag) =	ssettag $0x2  }
0x44: {  	s0 =	rddreg [dreg:$0x0];
	s2 =	stileid.u32  }
0x45: {  	s1 =	rddreg [dreg:$0x1];
	p0 =	sne.s32 s2, $0x0  }
0x46: {  	s3 =	rddreg [dreg:$0x2];
	[bflag:$0x3] =	sbarrier.arrive $0xFFFF;
	s2 =	simm.s32 @!p0 $0x1C01  }
0x47: {  	[timem:s3], [sflag:s2] =	dma.local @!p0 [hbm:s0], s1  }
0x48: {  	s0 =	simm.s32 @!p0 $0x1  }
0x49: {  	_ =	swait.ge @!p0 [sflag:s0], s1  }
0x4a: {  	s1 =	ssub.s32 @!p0 $0x0, s1;
	[sflag:s0] =	ssyncset.done @!p0 $0x0  }
0x4b: {  	[sflag:s0] =	ssyncadd.s32 @!p0 s1  }
0x4c: {  	[bflag:$0x3] =	sbarrier.arrive $0xFFFF  }
0x4d: {  	_ =	shalt  }

</sc_bundles>
